<compile_context>
chip_gen: v7x
topology: tpu7x:2x2x1
jax: 0.10.2.dev20260603
libtpu: 0.0.44.dev20260713+nightly
codegen_flags: <defaults>
</compile_context>

<pallas_src>
import functools
import jax
import jax.numpy as jnp
from jax import lax
from jax.experimental import pallas as pl
from jax.experimental.pallas import tpu as pltpu
from jax.experimental.pallas import tpu_sc as plsc

_NC, _NS = 2, 16
_NW = _NC * _NS


def _sc_gather(table, idx, chunk):
    B = idx.shape[0]
    D = table.shape[1]
    per_w = B // _NW
    n_iter = per_w // chunk
    mesh = plsc.VectorSubcoreMesh(core_axis_name="c", subcore_axis_name="s")

    @functools.partial(
        pl.kernel, mesh=mesh,
        out_type=jax.ShapeDtypeStruct((B, D), jnp.float32),
        scratch_types=[
            pltpu.VMEM((chunk,), jnp.int32),
            pltpu.VMEM((chunk, D), jnp.float32),
            pltpu.SemaphoreType.DMA,
        ],
    )
    def k(table_hbm, idx_hbm, out_hbm, idx_v, rows_v, sem):
        wid = lax.axis_index("s") * _NC + lax.axis_index("c")
        base = wid * per_w

        def body(i, carry):
            off = base + i * chunk
            pltpu.sync_copy(idx_hbm.at[pl.ds(off, chunk)], idx_v)
            pltpu.async_copy(table_hbm.at[idx_v], rows_v, sem).wait()
            pltpu.sync_copy(rows_v, out_hbm.at[pl.ds(off, chunk)])
            return carry

        lax.fori_loop(0, n_iter, body, 0)

    return k(table, idx)


def _counts_inv(dst2, typ2, n_pad, nb, eb):
    e = dst2.shape[1]
    grid = (n_pad // nb, e // eb)

    def kern(dst_ref, typ_ref, out_ref):
        j = pl.program_id(1)

        @pl.when(j == 0)
        def _():
            out_ref[...] = jnp.zeros_like(out_ref)

        rows = lax.broadcasted_iota(jnp.int32, (nb, eb), 0) + pl.program_id(0) * nb
        oh_dst = (rows == dst_ref[...]).astype(jnp.float32)
        rcols = lax.broadcasted_iota(jnp.int32, (eb, 128), 1)
        oh_typ = (rcols == typ_ref[...].reshape(eb, 1)).astype(jnp.float32)
        out_ref[...] += jnp.dot(oh_dst, oh_typ,
                                preferred_element_type=jnp.float32)

        @pl.when(j == grid[1] - 1)
        def _():
            out_ref[...] = 1.0 / jnp.maximum(out_ref[...], 1.0)

    return pl.pallas_call(
        kern,
        grid=grid,
        in_specs=[
            pl.BlockSpec((1, eb), lambda i, j: (0, j)),
            pl.BlockSpec((1, eb), lambda i, j: (0, j)),
        ],
        out_specs=pl.BlockSpec((nb, 128), lambda i, j: (i, 0)),
        out_shape=jax.ShapeDtypeStruct((n_pad, 128), jnp.float32),
    )(dst2, typ2)


def _rel_transform(x, w, nb):
    n, d = x.shape
    r = w.shape[0]
    grid = (r, n // nb)

    def kern(x_ref, w_ref, out_ref):
        out_ref[0] = jnp.dot(x_ref[...], w_ref[0],
                             preferred_element_type=jnp.float32)

    return pl.pallas_call(
        kern,
        grid=grid,
        in_specs=[
            pl.BlockSpec((nb, d), lambda i, j: (j, 0)),
            pl.BlockSpec((1, d, d), lambda i, j: (i, 0, 0)),
        ],
        out_specs=pl.BlockSpec((1, nb, d), lambda i, j: (i, j, 0)),
        out_shape=jax.ShapeDtypeStruct((r, n, d), jnp.float32),
    )(x, w)


def _aggregate(msgs, scale, dst2, xpad, root, bias2, relu, nb, eb):
    e, d = msgs.shape
    n_pad = xpad.shape[0]
    grid = (n_pad // nb, e // eb)

    def kern(dst_ref, msg_ref, scl_ref, x_ref, root_ref, b_ref, out_ref):
        j = pl.program_id(1)

        @pl.when(j == 0)
        def _():
            out_ref[...] = jnp.zeros_like(out_ref)

        rows = lax.broadcasted_iota(jnp.int32, (nb, eb), 0) + pl.program_id(0) * nb
        oh = (rows == dst_ref[...]).astype(jnp.float32)
        m = msg_ref[...] * scl_ref[:, 0:1]
        out_ref[...] += jnp.dot(oh, m, preferred_element_type=jnp.float32)

        @pl.when(j == grid[1] - 1)
        def _():
            o = (out_ref[...] + b_ref[...]
                 + jnp.dot(x_ref[...], root_ref[...],
                           preferred_element_type=jnp.float32))
            out_ref[...] = jnp.maximum(o, 0.0) if relu else o

    return pl.pallas_call(
        kern,
        grid=grid,
        in_specs=[
            pl.BlockSpec((1, eb), lambda i, j: (0, j)),
            pl.BlockSpec((eb, d), lambda i, j: (j, 0)),
            pl.BlockSpec((eb, 128), lambda i, j: (j, 0)),
            pl.BlockSpec((nb, d), lambda i, j: (i, 0)),
            pl.BlockSpec((d, d), lambda i, j: (0, 0)),
            pl.BlockSpec((1, d), lambda i, j: (0, 0)),
        ],
        out_specs=pl.BlockSpec((nb, d), lambda i, j: (i, 0)),
        out_shape=jax.ShapeDtypeStruct((n_pad, d), jnp.float32),
    )(dst2, msgs, scale, xpad, root, bias2)


def _decode(hs, hd, w_top, w_bot, bias2, pb):
    p, d = hs.shape

    def kern(a_ref, b_ref, wt_ref, wb_ref, bb_ref, out_ref):
        out_ref[...] = (jnp.dot(a_ref[...], wt_ref[...],
                                preferred_element_type=jnp.float32)
                        + jnp.dot(b_ref[...], wb_ref[...],
                                  preferred_element_type=jnp.float32)
                        + bb_ref[...])

    return pl.pallas_call(
        kern,
        grid=(p // pb,),
        in_specs=[
            pl.BlockSpec((pb, d), lambda i: (i, 0)),
            pl.BlockSpec((pb, d), lambda i: (i, 0)),
            pl.BlockSpec((d, 128), lambda i: (0, 0)),
            pl.BlockSpec((d, 128), lambda i: (0, 0)),
            pl.BlockSpec((1, 128), lambda i: (0, 0)),
        ],
        out_specs=pl.BlockSpec((pb, 128), lambda i: (i, 0)),
        out_shape=jax.ShapeDtypeStruct((p, 128), jnp.float32),
    )(hs, hd, w_top, w_bot, bias2)


def kernel(x, edge_index, edge_type, pairs, w1, root1, b1, w2, root2, b2,
           W_dec, b_dec):
    n, d = x.shape
    e = edge_index.shape[1]
    r = w1.shape[0]
    p = pairs.shape[0]

    src = edge_index[0].astype(jnp.int32)
    dst = edge_index[1].astype(jnp.int32)
    typ = edge_type.astype(jnp.int32)
    dst2 = dst.reshape(1, e)
    typ2 = typ.reshape(1, e)

    nb, ebk = 1024, 640
    n_pad = ((n + nb - 1) // nb) * nb
    xpad = jnp.pad(x, ((0, n_pad - n), (0, 0)))

    inv = _counts_inv(dst2, typ2, n_pad, nb, ebk)[:n, :r]
    scale_tab = jnp.broadcast_to(inv.reshape(n * r, 1), (n * r, 128))
    scale_tab = jnp.asarray(scale_tab)
    scale_e = _sc_gather(scale_tab, dst * r + typ, 80)

    idx_msg = typ * n + src

    z1 = _rel_transform(x, w1, 2000).reshape(r * n, d)
    m1 = _sc_gather(z1, idx_msg, 80)
    h1 = _aggregate(m1, scale_e, dst2, xpad, root1, b1.reshape(1, d),
                    True, nb, ebk)[:n]

    z2 = _rel_transform(h1, w2, 2000).reshape(r * n, d)
    m2 = _sc_gather(z2, idx_msg, 80)
    h2 = _aggregate(m2, scale_e, dst2,
                    jnp.pad(h1, ((0, n_pad - n), (0, 0))), root2,
                    b2.reshape(1, d), False, nb, ebk)[:n]

    p_pad = ((p + 3199) // 3200) * 3200
    pidx = jnp.concatenate([
        jnp.pad(pairs[:, 0].astype(jnp.int32), (0, p_pad - p)),
        jnp.pad(pairs[:, 1].astype(jnp.int32), (0, p_pad - p)),
    ])
    g = _sc_gather(h2, pidx, 80)
    hs, hd = g[:p], g[p_pad:p_pad + p]

    k_out = W_dec.shape[1]
    wpad = jnp.pad(W_dec, ((0, 0), (0, 128 - k_out)))
    bpad = jnp.pad(b_dec, (0, 128 - k_out)).reshape(1, 128)
    out = _decode(hs, hd, wpad[:d], wpad[d:], bpad, 1000)
    return out[:, :k_out]

# --- scband reference (transcript-rebuilt; emitter-appended) ---
"""Pipeline reference for scband-rgcnmodel-16372415332708 (READ-ONLY COPY).

The authoritative reference and input builder live on the scoring server;
editing this copy changes nothing except your own understanding.
"""

import jax, jax.numpy as jnp
import numpy as np


def rgcn_conv(x, edge_index, edge_type, weight, root, bias):
    # Faithful to PyG RGCNConv: per-relation mean aggregation of source features
    # over destination nodes, then per-relation linear transform, plus root
    # transform and bias.
    src = edge_index[0]
    dst = edge_index[1]
    N = x.shape[0]
    out = x @ root + bias
    msgs = x[src]  # gather [E, d]
    R = weight.shape[0]
    for r in range(R):
        mask = (edge_type == r).astype(x.dtype)
        summed = jax.ops.segment_sum(msgs * mask[:, None], dst, num_segments=N)
        cnt = jax.ops.segment_sum(mask, dst, num_segments=N)
        mean = summed / jnp.maximum(cnt, 1.0)[:, None]
        out = out + mean @ weight[r]
    return out


def setup_inputs(seed: int = 0):
    key = jax.random.key(seed)
    ks = jax.random.split(key, 12)
    N, E, P = 10000, 320000, 100000
    in_f, hid, out_f, R = 128, 128, 128, 8
    x = jax.random.normal(ks[0], (N, in_f), dtype=jnp.float32)
    edge_index = jax.random.randint(ks[1], (2, E), 0, N)
    edge_type = jax.random.randint(ks[2], (E,), 0, R)
    pairs = jax.random.randint(ks[3], (P, 2), 0, N)
    w1 = jax.random.normal(ks[4], (R, in_f, hid), dtype=jnp.float32) * 0.05
    root1 = jax.random.normal(ks[5], (in_f, hid), dtype=jnp.float32) * 0.05
    b1 = jnp.zeros((hid,), dtype=jnp.float32)
    w2 = jax.random.normal(ks[6], (R, hid, out_f), dtype=jnp.float32) * 0.05
    root2 = jax.random.normal(ks[7], (hid, out_f), dtype=jnp.float32) * 0.05
    b2 = jnp.zeros((out_f,), dtype=jnp.float32)
    W_dec = jax.random.normal(ks[8], (2 * out_f, 3), dtype=jnp.float32) * 0.05
    b_dec = jnp.zeros((3,), dtype=jnp.float32)
    return {"x": x, "edge_index": edge_index, "edge_type": edge_type, "pairs": pairs,
            "w1": w1, "root1": root1, "b1": b1,
            "w2": w2, "root2": root2, "b2": b2,
            "W_dec": W_dec, "b_dec": b_dec}


def reference(x, edge_index, edge_type, pairs, w1, root1, b1, w2, root2, b2, W_dec, b_dec):
    h = jax.nn.relu(rgcn_conv(x, edge_index, edge_type, w1, root1, b1))
    h = rgcn_conv(h, edge_index, edge_type, w2, root2, b2)
    src = pairs[:, 0]
    dst = pairs[:, 1]
    edge_feats = jnp.concatenate([h[src], h[dst]], axis=1)
    return edge_feats @ W_dec + b_dec

if __name__ == "__main__":
    import jax
    _d = setup_inputs()
    print(jax.jit(kernel)(*tuple(_d.values())))

</pallas_src>

<mosaic_0001>
#map = affine_map<(d0, d1) -> (0, 0)>
#map1 = affine_map<(d0, d1) -> (0)>
module attributes {stable_mosaic.version = 14 : i64} {
  func.func @k(%arg0: i32, %arg1: i32, %arg2: memref<80000x128xf32, #tpu.memory_space<hbm>>, %arg3: memref<320000xi32, #tpu.memory_space<hbm>>, %arg4: memref<320000x128xf32, #tpu.memory_space<hbm>>, %arg5: memref<80xi32, #tpu.memory_space<vmem>>, %arg6: memref<80x128xf32, #tpu.memory_space<vmem>>, %arg7: memref<!tpu.dma_semaphore, #tpu.memory_space<semaphore_mem>>) attributes {dimension_semantics = [#tpu.dimension_semantics<core_parallel>, #tpu.dimension_semantics<subcore_parallel>], iteration_bounds = array<i64: 2, 16>, scalar_prefetch = 0 : i64, scratch_operands = 3 : i64, tpu.core_type = #tpu.core_type<sc_vector_subcore>, window_params = [{transform_indices = #map}, {transform_indices = #map1}, {transform_indices = #map}]} {
    %mul3A = arith.constant 2 : i32
    %mul3A_0 = arith.muli %arg1, %mul3A : i32
    %add3A = arith.addi %mul3A_0, %arg0 : i32
    %mul3A_1 = arith.constant 10000 : i32
    %mul3A_2 = arith.muli %add3A, %mul3A_1 : i32
    %scan3A = arith.constant 0 : i32
    %scan3A_3 = arith.constant 0 : i32
    %scan3A_4 = arith.constant 125 : i32
    %scan3A_5 = arith.addi %scan3A_3, %scan3A_4 : i32
    %scan3A_6 = arith.constant 1 : i32
    scf.for %scan3A_8 = %scan3A_3 to %scan3A_5 step %scan3A_6  : i32 {
      %mul3A_9 = arith.constant 80 : i32
      %mul3A_10 = arith.muli %scan3A_8, %mul3A_9 : i32
      %add3A_11 = arith.addi %mul3A_2, %mul3A_10 : i32
      "tpu.region"() ({
        %run_scoped3A = tpu.sem_alloc : memref<!tpu.dma_semaphore, #tpu.memory_space<semaphore_mem>>
        %dma_start3A_16 = tpu.memref_slice %arg3[%add3A_11] : memref<320000xi32, #tpu.memory_space<hbm>> -> memref<80xi32, #tpu.memory_space<hbm>>
        %dma_start3A_17 = tpu.memref_slice %arg3[%add3A_11] : memref<320000xi32, #tpu.memory_space<hbm>> -> memref<80xi32, #tpu.memory_space<hbm>>
        tpu.enqueue_dma source(%dma_start3A_17 : memref<80xi32, #tpu.memory_space<hbm>>) target(%arg5 : memref<80xi32, #tpu.memory_space<vmem>>) target_semaphore(%run_scoped3A : memref<!tpu.dma_semaphore, #tpu.memory_space<semaphore_mem>>)
        %dma_wait3A_18 = tpu.memref_slice %arg3[%add3A_11] : memref<320000xi32, #tpu.memory_space<hbm>> -> memref<80xi32, #tpu.memory_space<hbm>>
        %dma_wait3A_19 = tpu.memref_slice %arg3[%add3A_11] : memref<320000xi32, #tpu.memory_space<hbm>> -> memref<80xi32, #tpu.memory_space<hbm>>
        tpu.wait_dma2 semaphore(%run_scoped3A : memref<!tpu.dma_semaphore, #tpu.memory_space<semaphore_mem>>) src(%dma_wait3A_19 : memref<80xi32, #tpu.memory_space<hbm>>) dst(%arg5 : memref<80xi32, #tpu.memory_space<vmem>>)
        tpu.yield
      }) : () -> ()
      %dma_start3A = arith.constant 0 : i32
      %dma_start3A_12 = arith.constant 0 : i32
      %dma_start3A_13 = tpu.memref_slice %arg2[%dma_start3A, %dma_start3A_12] : memref<80000x128xf32, #tpu.memory_space<hbm>> -> memref<80000x128xf32, #tpu.memory_space<hbm>>
      tpu.enqueue_indirect_dma source(%dma_start3A_13 : memref<80000x128xf32, #tpu.memory_space<hbm>>) target(%arg6 : memref<80x128xf32, #tpu.memory_space<vmem>>) offsets(%arg5 : memref<80xi32, #tpu.memory_space<vmem>>) semaphore(%arg7 : memref<!tpu.dma_semaphore, #tpu.memory_space<semaphore_mem>>)
      %dma_wait3A = arith.constant 0 : i32
      %dma_wait3A_14 = arith.constant 0 : i32
      %dma_wait3A_15 = tpu.memref_slice %arg2[%dma_wait3A, %dma_wait3A_14] : memref<80000x128xf32, #tpu.memory_space<hbm>> -> memref<80000x128xf32, #tpu.memory_space<hbm>>
      tpu.wait_indirect_dma semaphore(%arg7 : memref<!tpu.dma_semaphore, #tpu.memory_space<semaphore_mem>>) src(%dma_wait3A_15 : memref<80000x128xf32, #tpu.memory_space<hbm>>) dst(%arg6 : memref<80x128xf32, #tpu.memory_space<vmem>>)
      "tpu.region"() ({
        %run_scoped3A = tpu.sem_alloc : memref<!tpu.dma_semaphore, #tpu.memory_space<semaphore_mem>>
        %dma_start3A_16 = arith.constant 0 : i32
        %dma_start3A_17 = tpu.memref_slice %arg4[%add3A_11, %dma_start3A_16] : memref<320000x128xf32, #tpu.memory_space<hbm>> -> memref<80x128xf32, #tpu.memory_space<hbm>>
        %dma_start3A_18 = arith.constant 0 : i32
        %dma_start3A_19 = tpu.memref_slice %arg4[%add3A_11, %dma_start3A_18] : memref<320000x128xf32, #tpu.memory_space<hbm>> -> memref<80x128xf32, #tpu.memory_space<hbm>>
        tpu.enqueue_dma source(%arg6 : memref<80x128xf32, #tpu.memory_space<vmem>>) target(%dma_start3A_19 : memref<80x128xf32, #tpu.memory_space<hbm>>) target_semaphore(%run_scoped3A : memref<!tpu.dma_semaphore, #tpu.memory_space<semaphore_mem>>)
        %dma_wait3A_20 = arith.constant 0 : i32
        %dma_wait3A_21 = tpu.memref_slice %arg4[%add3A_11, %dma_wait3A_20] : memref<320000x128xf32, #tpu.memory_space<hbm>> -> memref<80x128xf32, #tpu.memory_space<hbm>>
        %dma_wait3A_22 = arith.constant 0 : i32
        %dma_wait3A_23 = tpu.memref_slice %arg4[%add3A_11, %dma_wait3A_22] : memref<320000x128xf32, #tpu.memory_space<hbm>> -> memref<80x128xf32, #tpu.memory_space<hbm>>
        tpu.wait_dma2 semaphore(%run_scoped3A : memref<!tpu.dma_semaphore, #tpu.memory_space<semaphore_mem>>) src(%arg6 : memref<80x128xf32, #tpu.memory_space<vmem>>) dst(%dma_wait3A_23 : memref<80x128xf32, #tpu.memory_space<hbm>>)
        tpu.yield
      }) : () -> ()
    }
    %scan3A_7 = arith.constant 125 : i32
    return
  }
}

#map = affine_map<(d0, d1) -> (0, 0)>
#map1 = affine_map<(d0, d1) -> (0)>
module attributes {stable_mosaic.version = 14 : i64} {
  func.func @k(%arg0: i32, %arg1: i32, %arg2: memref<80000x128xf32, #tpu.memory_space<hbm>>, %arg3: memref<320000xi32, #tpu.memory_space<hbm>>, %arg4: memref<320000x128xf32, #tpu.memory_space<hbm>>, %arg5: memref<80xi32, #tpu.memory_space<vmem>>, %arg6: memref<80x128xf32, #tpu.memory_space<vmem>>, %arg7: memref<!tpu.dma_semaphore, #tpu.memory_space<semaphore_mem>>) attributes {dimension_semantics = [#tpu.dimension_semantics<core_parallel>, #tpu.dimension_semantics<subcore_parallel>], iteration_bounds = array<i64: 2, 16>, scalar_prefetch = 0 : i64, scratch_operands = 3 : i64, tpu.core_type = #tpu.core_type<sc_vector_subcore>, window_params = [{transform_indices = #map}, {transform_indices = #map1}, {transform_indices = #map}]} {
    %mul3A = arith.constant 2 : i32
    %mul3A_0 = arith.muli %arg1, %mul3A : i32
    %add3A = arith.addi %mul3A_0, %arg0 : i32
    %mul3A_1 = arith.constant 10000 : i32
    %mul3A_2 = arith.muli %add3A, %mul3A_1 : i32
    %scan3A = arith.constant 0 : i32
    %scan3A_3 = arith.constant 0 : i32
    %scan3A_4 = arith.constant 125 : i32
    %scan3A_5 = arith.addi %scan3A_3, %scan3A_4 : i32
    %scan3A_6 = arith.constant 1 : i32
    scf.for %scan3A_8 = %scan3A_3 to %scan3A_5 step %scan3A_6  : i32 {
      %mul3A_9 = arith.constant 80 : i32
      %mul3A_10 = arith.muli %scan3A_8, %mul3A_9 : i32
      %add3A_11 = arith.addi %mul3A_2, %mul3A_10 : i32
      "tpu.region"() ({
        %run_scoped3A = tpu.sem_alloc : memref<!tpu.dma_semaphore, #tpu.memory_space<semaphore_mem>>
        %dma_start3A_16 = tpu.memref_slice %arg3[%add3A_11] : memref<320000xi32, #tpu.memory_space<hbm>> -> memref<80xi32, #tpu.memory_space<hbm>>
        %dma_start3A_17 = tpu.memref_slice %arg3[%add3A_11] : memref<320000xi32, #tpu.memory_space<hbm>> -> memref<80xi32, #tpu.memory_space<hbm>>
        tpu.enqueue_dma source(%dma_start3A_17 : memref<80xi32, #tpu.memory_space<hbm>>) target(%arg5 : memref<80xi32, #tpu.memory_space<vmem>>) target_semaphore(%run_scoped3A : memref<!tpu.dma_semaphore, #tpu.memory_space<semaphore_mem>>)
        %dma_wait3A_18 = tpu.memref_slice %arg3[%add3A_11] : memref<320000xi32, #tpu.memory_space<hbm>> -> memref<80xi32, #tpu.memory_space<hbm>>
        %dma_wait3A_19 = tpu.memref_slice %arg3[%add3A_11] : memref<320000xi32, #tpu.memory_space<hbm>> -> memref<80xi32, #tpu.memory_space<hbm>>
        tpu.wait_dma2 semaphore(%run_scoped3A : memref<!tpu.dma_semaphore, #tpu.memory_space<semaphore_mem>>) src(%dma_wait3A_19 : memref<80xi32, #tpu.memory_space<hbm>>) dst(%arg5 : memref<80xi32, #tpu.memory_space<vmem>>)
        tpu.yield
      }) : () -> ()
      %dma_start3A = arith.constant 0 : i32
      %dma_start3A_12 = arith.constant 0 : i32
      %dma_start3A_13 = tpu.memref_slice %arg2[%dma_start3A, %dma_start3A_12] : memref<80000x128xf32, #tpu.memory_space<hbm>> -> memref<80000x128xf32, #tpu.memory_space<hbm>>
      tpu.enqueue_indirect_dma source(%dma_start3A_13 : memref<80000x128xf32, #tpu.memory_space<hbm>>) target(%arg6 : memref<80x128xf32, #tpu.memory_space<vmem>>) offsets(%arg5 : memref<80xi32, #tpu.memory_space<vmem>>) semaphore(%arg7 : memref<!tpu.dma_semaphore, #tpu.memory_space<semaphore_mem>>)
      %dma_wait3A = arith.constant 0 : i32
      %dma_wait3A_14 = arith.constant 0 : i32
      %dma_wait3A_15 = tpu.memref_slice %arg2[%dma_wait3A, %dma_wait3A_14] : memref<80000x128xf32, #tpu.memory_space<hbm>> -> memref<80000x128xf32, #tpu.memory_space<hbm>>
      tpu.wait_indirect_dma semaphore(%arg7 : memref<!tpu.dma_semaphore, #tpu.memory_space<semaphore_mem>>) src(%dma_wait3A_15 : memref<80000x128xf32, #tpu.memory_space<hbm>>) dst(%arg6 : memref<80x128xf32, #tpu.memory_space<vmem>>)
      "tpu.region"() ({
        %run_scoped3A = tpu.sem_alloc : memref<!tpu.dma_semaphore, #tpu.memory_space<semaphore_mem>>
        %dma_start3A_16 = arith.constant 0 : i32
        %dma_start3A_17 = tpu.memref_slice %arg4[%add3A_11, %dma_start3A_16] : memref<320000x128xf32, #tpu.memory_space<hbm>> -> memref<80x128xf32, #tpu.memory_space<hbm>>
        %dma_start3A_18 = arith.constant 0 : i32
        %dma_start3A_19 = tpu.memref_slice %arg4[%add3A_11, %dma_start3A_18] : memref<320000x128xf32, #tpu.memory_space<hbm>> -> memref<80x128xf32, #tpu.memory_space<hbm>>
        tpu.enqueue_dma source(%arg6 : memref<80x128xf32, #tpu.memory_space<vmem>>) target(%dma_start3A_19 : memref<80x128xf32, #tpu.memory_space<hbm>>) target_semaphore(%run_scoped3A : memref<!tpu.dma_semaphore, #tpu.memory_space<semaphore_mem>>)
        %dma_wait3A_20 = arith.constant 0 : i32
        %dma_wait3A_21 = tpu.memref_slice %arg4[%add3A_11, %dma_wait3A_20] : memref<320000x128xf32, #tpu.memory_space<hbm>> -> memref<80x128xf32, #tpu.memory_space<hbm>>
        %dma_wait3A_22 = arith.constant 0 : i32
        %dma_wait3A_23 = tpu.memref_slice %arg4[%add3A_11, %dma_wait3A_22] : memref<320000x128xf32, #tpu.memory_space<hbm>> -> memref<80x128xf32, #tpu.memory_space<hbm>>
        tpu.wait_dma2 semaphore(%run_scoped3A : memref<!tpu.dma_semaphore, #tpu.memory_space<semaphore_mem>>) src(%arg6 : memref<80x128xf32, #tpu.memory_space<vmem>>) dst(%dma_wait3A_23 : memref<80x128xf32, #tpu.memory_space<hbm>>)
        tpu.yield
      }) : () -> ()
    }
    %scan3A_7 = arith.constant 125 : i32
    return
  }
}

#map = affine_map<(d0, d1) -> (0, 0)>
#map1 = affine_map<(d0, d1) -> (0)>
module attributes {stable_mosaic.version = 14 : i64} {
  func.func @k(%arg0: i32, %arg1: i32, %arg2: memref<80000x128xf32, #tpu.memory_space<hbm>>, %arg3: memref<320000xi32, #tpu.memory_space<hbm>>, %arg4: memref<320000x128xf32, #tpu.memory_space<hbm>>, %arg5: memref<80xi32, #tpu.memory_space<vmem>>, %arg6: memref<80x128xf32, #tpu.memory_space<vmem>>, %arg7: memref<!tpu.dma_semaphore, #tpu.memory_space<semaphore_mem>>) attributes {dimension_semantics = [#tpu.dimension_semantics<core_parallel>, #tpu.dimension_semantics<subcore_parallel>], iteration_bounds = array<i64: 2, 16>, scalar_prefetch = 0 : i64, scratch_operands = 3 : i64, tpu.core_type = #tpu.core_type<sc_vector_subcore>, window_params = [{transform_indices = #map}, {transform_indices = #map1}, {transform_indices = #map}]} {
    %mul3A = arith.constant 2 : i32
    %mul3A_0 = arith.muli %arg1, %mul3A : i32
    %add3A = arith.addi %mul3A_0, %arg0 : i32
    %mul3A_1 = arith.constant 10000 : i32
    %mul3A_2 = arith.muli %add3A, %mul3A_1 : i32
    %scan3A = arith.constant 0 : i32
    %scan3A_3 = arith.constant 0 : i32
    %scan3A_4 = arith.constant 125 : i32
    %scan3A_5 = arith.addi %scan3A_3, %scan3A_4 : i32
    %scan3A_6 = arith.constant 1 : i32
    scf.for %scan3A_8 = %scan3A_3 to %scan3A_5 step %scan3A_6  : i32 {
      %mul3A_9 = arith.constant 80 : i32
      %mul3A_10 = arith.muli %scan3A_8, %mul3A_9 : i32
      %add3A_11 = arith.addi %mul3A_2, %mul3A_10 : i32
      "tpu.region"() ({
        %run_scoped3A = tpu.sem_alloc : memref<!tpu.dma_semaphore, #tpu.memory_space<semaphore_mem>>
        %dma_start3A_16 = tpu.memref_slice %arg3[%add3A_11] : memref<320000xi32, #tpu.memory_space<hbm>> -> memref<80xi32, #tpu.memory_space<hbm>>
        %dma_start3A_17 = tpu.memref_slice %arg3[%add3A_11] : memref<320000xi32, #tpu.memory_space<hbm>> -> memref<80xi32, #tpu.memory_space<hbm>>
        tpu.enqueue_dma source(%dma_start3A_17 : memref<80xi32, #tpu.memory_space<hbm>>) target(%arg5 : memref<80xi32, #tpu.memory_space<vmem>>) target_semaphore(%run_scoped3A : memref<!tpu.dma_semaphore, #tpu.memory_space<semaphore_mem>>)
        %dma_wait3A_18 = tpu.memref_slice %arg3[%add3A_11] : memref<320000xi32, #tpu.memory_space<hbm>> -> memref<80xi32, #tpu.memory_space<hbm>>
        %dma_wait3A_19 = tpu.memref_slice %arg3[%add3A_11] : memref<320000xi32, #tpu.memory_space<hbm>> -> memref<80xi32, #tpu.memory_space<hbm>>
        tpu.wait_dma2 semaphore(%run_scoped3A : memref<!tpu.dma_semaphore, #tpu.memory_space<semaphore_mem>>) src(%dma_wait3A_19 : memref<80xi32, #tpu.memory_space<hbm>>) dst(%arg5 : memref<80xi32, #tpu.memory_space<vmem>>)
        tpu.yield
      }) : () -> ()
      %dma_start3A = arith.constant 0 : i32
      %dma_start3A_12 = arith.constant 0 : i32
      %dma_start3A_13 = tpu.memref_slice %arg2[%dma_start3A, %dma_start3A_12] : memref<80000x128xf32, #tpu.memory_space<hbm>> -> memref<80000x128xf32, #tpu.memory_space<hbm>>
      tpu.enqueue_indirect_dma source(%dma_start3A_13 : memref<80000x128xf32, #tpu.memory_space<hbm>>) target(%arg6 : memref<80x128xf32, #tpu.memory_space<vmem>>) offsets(%arg5 : memref<80xi32, #tpu.memory_space<vmem>>) semaphore(%arg7 : memref<!tpu.dma_semaphore, #tpu.memory_space<semaphore_mem>>)
      %dma_wait3A = arith.constant 0 : i32
      %dma_wait3A_14 = arith.constant 0 : i32
      %dma_wait3A_15 = tpu.memref_slice %arg2[%dma_wait3A, %dma_wait3A_14] : memref<80000x128xf32, #tpu.memory_space<hbm>> -> memref<80000x128xf32, #tpu.memory_space<hbm>>
      tpu.wait_indirect_dma semaphore(%arg7 : memref<!tpu.dma_semaphore, #tpu.memory_space<semaphore_mem>>) src(%dma_wait3A_15 : memref<80000x128xf32, #tpu.memory_space<hbm>>) dst(%arg6 : memref<80x128xf32, #tpu.memory_space<vmem>>)
      "tpu.region"() ({
        %run_scoped3A = tpu.sem_alloc : memref<!tpu.dma_semaphore, #tpu.memory_space<semaphore_mem>>
        %dma_start3A_16 = arith.constant 0 : i32
        %dma_start3A_17 = tpu.memref_slice %arg4[%add3A_11, %dma_start3A_16] : memref<320000x128xf32, #tpu.memory_space<hbm>> -> memref<80x128xf32, #tpu.memory_space<hbm>>
        %dma_start3A_18 = arith.constant 0 : i32
        %dma_start3A_19 = tpu.memref_slice %arg4[%add3A_11, %dma_start3A_18] : memref<320000x128xf32, #tpu.memory_space<hbm>> -> memref<80x128xf32, #tpu.memory_space<hbm>>
        tpu.enqueue_dma source(%arg6 : memref<80x128xf32, #tpu.memory_space<vmem>>) target(%dma_start3A_19 : memref<80x128xf32, #tpu.memory_space<hbm>>) target_semaphore(%run_scoped3A : memref<!tpu.dma_semaphore, #tpu.memory_space<semaphore_mem>>)
        %dma_wait3A_20 = arith.constant 0 : i32
        %dma_wait3A_21 = tpu.memref_slice %arg4[%add3A_11, %dma_wait3A_20] : memref<320000x128xf32, #tpu.memory_space<hbm>> -> memref<80x128xf32, #tpu.memory_space<hbm>>
        %dma_wait3A_22 = arith.constant 0 : i32
        %dma_wait3A_23 = tpu.memref_slice %arg4[%add3A_11, %dma_wait3A_22] : memref<320000x128xf32, #tpu.memory_space<hbm>> -> memref<80x128xf32, #tpu.memory_space<hbm>>
        tpu.wait_dma2 semaphore(%run_scoped3A : memref<!tpu.dma_semaphore, #tpu.memory_space<semaphore_mem>>) src(%arg6 : memref<80x128xf32, #tpu.memory_space<vmem>>) dst(%dma_wait3A_23 : memref<80x128xf32, #tpu.memory_space<hbm>>)
        tpu.yield
      }) : () -> ()
    }
    %scan3A_7 = arith.constant 125 : i32
    return
  }
}

#map = affine_map<(d0, d1) -> (0, 0)>
#map1 = affine_map<(d0, d1) -> (0)>
module attributes {stable_mosaic.version = 14 : i64} {
  func.func @k(%arg0: i32, %arg1: i32, %arg2: memref<10000x128xf32, #tpu.memory_space<hbm>>, %arg3: memref<204800xi32, #tpu.memory_space<hbm>>, %arg4: memref<204800x128xf32, #tpu.memory_space<hbm>>, %arg5: memref<80xi32, #tpu.memory_space<vmem>>, %arg6: memref<80x128xf32, #tpu.memory_space<vmem>>, %arg7: memref<!tpu.dma_semaphore, #tpu.memory_space<semaphore_mem>>) attributes {dimension_semantics = [#tpu.dimension_semantics<core_parallel>, #tpu.dimension_semantics<subcore_parallel>], iteration_bounds = array<i64: 2, 16>, scalar_prefetch = 0 : i64, scratch_operands = 3 : i64, tpu.core_type = #tpu.core_type<sc_vector_subcore>, window_params = [{transform_indices = #map}, {transform_indices = #map1}, {transform_indices = #map}]} {
    %mul3A = arith.constant 2 : i32
    %mul3A_0 = arith.muli %arg1, %mul3A : i32
    %add3A = arith.addi %mul3A_0, %arg0 : i32
    %mul3A_1 = arith.constant 6400 : i32
    %mul3A_2 = arith.muli %add3A, %mul3A_1 : i32
    %scan3A = arith.constant 0 : i32
    %scan3A_3 = arith.constant 0 : i32
    %scan3A_4 = arith.constant 80 : i32
    %scan3A_5 = arith.addi %scan3A_3, %scan3A_4 : i32
    %scan3A_6 = arith.constant 1 : i32
    scf.for %scan3A_8 = %scan3A_3 to %scan3A_5 step %scan3A_6  : i32 {
      %mul3A_9 = arith.constant 80 : i32
      %mul3A_10 = arith.muli %scan3A_8, %mul3A_9 : i32
      %add3A_11 = arith.addi %mul3A_2, %mul3A_10 : i32
      "tpu.region"() ({
        %run_scoped3A = tpu.sem_alloc : memref<!tpu.dma_semaphore, #tpu.memory_space<semaphore_mem>>
        %dma_start3A_16 = tpu.memref_slice %arg3[%add3A_11] : memref<204800xi32, #tpu.memory_space<hbm>> -> memref<80xi32, #tpu.memory_space<hbm>>
        %dma_start3A_17 = tpu.memref_slice %arg3[%add3A_11] : memref<204800xi32, #tpu.memory_space<hbm>> -> memref<80xi32, #tpu.memory_space<hbm>>
        tpu.enqueue_dma source(%dma_start3A_17 : memref<80xi32, #tpu.memory_space<hbm>>) target(%arg5 : memref<80xi32, #tpu.memory_space<vmem>>) target_semaphore(%run_scoped3A : memref<!tpu.dma_semaphore, #tpu.memory_space<semaphore_mem>>)
        %dma_wait3A_18 = tpu.memref_slice %arg3[%add3A_11] : memref<204800xi32, #tpu.memory_space<hbm>> -> memref<80xi32, #tpu.memory_space<hbm>>
        %dma_wait3A_19 = tpu.memref_slice %arg3[%add3A_11] : memref<204800xi32, #tpu.memory_space<hbm>> -> memref<80xi32, #tpu.memory_space<hbm>>
        tpu.wait_dma2 semaphore(%run_scoped3A : memref<!tpu.dma_semaphore, #tpu.memory_space<semaphore_mem>>) src(%dma_wait3A_19 : memref<80xi32, #tpu.memory_space<hbm>>) dst(%arg5 : memref<80xi32, #tpu.memory_space<vmem>>)
        tpu.yield
      }) : () -> ()
      %dma_start3A = arith.constant 0 : i32
      %dma_start3A_12 = arith.constant 0 : i32
      %dma_start3A_13 = tpu.memref_slice %arg2[%dma_start3A, %dma_start3A_12] : memref<10000x128xf32, #tpu.memory_space<hbm>> -> memref<10000x128xf32, #tpu.memory_space<hbm>>
      tpu.enqueue_indirect_dma source(%dma_start3A_13 : memref<10000x128xf32, #tpu.memory_space<hbm>>) target(%arg6 : memref<80x128xf32, #tpu.memory_space<vmem>>) offsets(%arg5 : memref<80xi32, #tpu.memory_space<vmem>>) semaphore(%arg7 : memref<!tpu.dma_semaphore, #tpu.memory_space<semaphore_mem>>)
      %dma_wait3A = arith.constant 0 : i32
      %dma_wait3A_14 = arith.constant 0 : i32
      %dma_wait3A_15 = tpu.memref_slice %arg2[%dma_wait3A, %dma_wait3A_14] : memref<10000x128xf32, #tpu.memory_space<hbm>> -> memref<10000x128xf32, #tpu.memory_space<hbm>>
      tpu.wait_indirect_dma semaphore(%arg7 : memref<!tpu.dma_semaphore, #tpu.memory_space<semaphore_mem>>) src(%dma_wait3A_15 : memref<10000x128xf32, #tpu.memory_space<hbm>>) dst(%arg6 : memref<80x128xf32, #tpu.memory_space<vmem>>)
      "tpu.region"() ({
        %run_scoped3A = tpu.sem_alloc : memref<!tpu.dma_semaphore, #tpu.memory_space<semaphore_mem>>
        %dma_start3A_16 = arith.constant 0 : i32
        %dma_start3A_17 = tpu.memref_slice %arg4[%add3A_11, %dma_start3A_16] : memref<204800x128xf32, #tpu.memory_space<hbm>> -> memref<80x128xf32, #tpu.memory_space<hbm>>
        %dma_start3A_18 = arith.constant 0 : i32
        %dma_start3A_19 = tpu.memref_slice %arg4[%add3A_11, %dma_start3A_18] : memref<204800x128xf32, #tpu.memory_space<hbm>> -> memref<80x128xf32, #tpu.memory_space<hbm>>
        tpu.enqueue_dma source(%arg6 : memref<80x128xf32, #tpu.memory_space<vmem>>) target(%dma_start3A_19 : memref<80x128xf32, #tpu.memory_space<hbm>>) target_semaphore(%run_scoped3A : memref<!tpu.dma_semaphore, #tpu.memory_space<semaphore_mem>>)
        %dma_wait3A_20 = arith.constant 0 : i32
        %dma_wait3A_21 = tpu.memref_slice %arg4[%add3A_11, %dma_wait3A_20] : memref<204800x128xf32, #tpu.memory_space<hbm>> -> memref<80x128xf32, #tpu.memory_space<hbm>>
        %dma_wait3A_22 = arith.constant 0 : i32
        %dma_wait3A_23 = tpu.memref_slice %arg4[%add3A_11, %dma_wait3A_22] : memref<204800x128xf32, #tpu.memory_space<hbm>> -> memref<80x128xf32, #tpu.memory_space<hbm>>
        tpu.wait_dma2 semaphore(%run_scoped3A : memref<!tpu.dma_semaphore, #tpu.memory_space<semaphore_mem>>) src(%arg6 : memref<80x128xf32, #tpu.memory_space<vmem>>) dst(%dma_wait3A_23 : memref<80x128xf32, #tpu.memory_space<hbm>>)
        tpu.yield
      }) : () -> ()
    }
    %scan3A_7 = arith.constant 80 : i32
    return
  }
}

module attributes {stable_mosaic.version = 14 : i64} {
  func.func @kern(%arg0: i32, %arg1: i32, %arg2: memref<1x640xi32, #tpu.memory_space<vmem>>, %arg3: memref<1x640xi32, #tpu.memory_space<vmem>>, %arg4: memref<1024x128xf32, #tpu.memory_space<vmem>>) attributes {dimension_semantics = [#tpu.dimension_semantics<arbitrary>, #tpu.dimension_semantics<arbitrary>], iteration_bounds = array<i64: 10, 500>, scalar_prefetch = 0 : i64, scratch_operands = 0 : i64, tpu.core_type = #tpu.core_type<tc>, window_params = [{transform_indices = @transform_0, window_bounds = array<i64: 1, 640>}, {transform_indices = @transform_1, window_bounds = array<i64: 1, 640>}, {transform_indices = @transform_2, window_bounds = array<i64: 1024, 128>}]} {
    %eq3A = arith.constant 0 : i32
    %eq3A_0 = arith.cmpi eq, %arg1, %eq3A : i32
    %convert_element_type3A = arith.extui %eq3A_0 : i1 to i32
    %cond3A = arith.constant 0 : i32
    %cond3A_1 = arith.cmpi ne, %convert_element_type3A, %cond3A : i32
    scf.if %cond3A_1 {
      %broadcast_in_dim3A = arith.constant 0.000000e+00 : f32
      %broadcast_in_dim3A_30 = vector.broadcast %broadcast_in_dim3A : f32 to vector<1024x128xf32>
      %swap3A_31 = arith.constant 0 : index
      %swap3A_32 = arith.constant 0 : index
      %swap3A_33 = vector.load %arg4[%swap3A_31, %swap3A_32] : memref<1024x128xf32, #tpu.memory_space<vmem>>, vector<1024x128xf32>
      tpu.vector_store %arg4[%swap3A_31, %swap3A_32], %broadcast_in_dim3A_30 {strides = array<i32>} : memref<1024x128xf32, #tpu.memory_space<vmem>>, vector<1024x128xf32>,
    } else {
    }
    %iota3A = tpu.iota {dimensions = array<i32: 0>} : vector<1024x640xi32>
    %mul3A = arith.constant 1024 : i32
    %mul3A_2 = arith.muli %arg0, %mul3A : i32
    %add3A = vector.broadcast %mul3A_2 : i32 to vector<1024x640xi32>
    %add3A_3 = arith.addi %iota3A, %add3A : vector<1024x640xi32>
    %get3A = arith.constant 0 : index
    %get3A_4 = arith.constant 0 : index
    %get3A_5 = vector.load %arg2[%get3A, %get3A_4] : memref<1x640xi32, #tpu.memory_space<vmem>>, vector<1x640xi32>
    %eq3A_6 = vector.broadcast %get3A_5 : vector<1x640xi32> to vector<1024x640xi32>
    %eq3A_7 = arith.cmpi eq, %add3A_3, %eq3A_6 : vector<1024x640xi32>
    %convert_element_type3A_8 = arith.extui %eq3A_7 : vector<1024x640xi1> to vector<1024x640xi32>
    %convert_element_type3A_9 = arith.sitofp %convert_element_type3A_8 : vector<1024x640xi32> to vector<1024x640xf32>
    %iota3A_10 = tpu.iota {dimensions = array<i32: 1>} : vector<640x128xi32>
    %get3A_11 = arith.constant 0 : index
    %get3A_12 = arith.constant 0 : index
    %get3A_13 = vector.load %arg3[%get3A_11, %get3A_12] : memref<1x640xi32, #tpu.memory_space<vmem>>, vector<1x640xi32>
    %reshape3A = vector.shape_cast %get3A_13 : vector<1x640xi32> to vector<640x1xi32>
    %eq3A_14 = vector.broadcast %reshape3A : vector<640x1xi32> to vector<640x128xi32>
    %eq3A_15 = arith.cmpi eq, %iota3A_10, %eq3A_14 : vector<640x128xi32>
    %convert_element_type3A_16 = arith.extui %eq3A_15 : vector<640x128xi1> to vector<640x128xi32>
    %convert_element_type3A_17 = arith.sitofp %convert_element_type3A_16 : vector<640x128xi32> to vector<640x128xf32>
    %get3A_18 = arith.constant 0 : index
    %get3A_19 = arith.constant 0 : index
    %get3A_20 = vector.load %arg4[%get3A_18, %get3A_19] : memref<1024x128xf32, #tpu.memory_space<vmem>>, vector<1024x128xf32>
    %dot_general3A = arith.constant dense<0.000000e+00> : vector<1024x128xf32>
    %dot_general3A_21 = tpu.matmul %convert_element_type3A_9, %convert_element_type3A_17, %dot_general3A {dimension_numbers = #tpu.dot_dimension_numbers<[1], [0], [0], [1], [0, 0, 1, 1], [], []>, transpose_lhs_hint = false} : vector<1024x640xf32>, vector<640x128xf32>, vector<1024x128xf32> -> vector<1024x128xf32>
    %add3A_22 = arith.addf %get3A_20, %dot_general3A_21 : vector<1024x128xf32>
    %swap3A = arith.constant 0 : index
    %swap3A_23 = arith.constant 0 : index
    %swap3A_24 = vector.load %arg4[%swap3A, %swap3A_23] : memref<1024x128xf32, #tpu.memory_space<vmem>>, vector<1024x128xf32>
    tpu.vector_store %arg4[%swap3A, %swap3A_23], %add3A_22 {strides = array<i32>} : memref<1024x128xf32, #tpu.memory_space<vmem>>, vector<1024x128xf32>,
    %eq3A_25 = arith.constant 499 : i32
    %eq3A_26 = arith.cmpi eq, %arg1, %eq3A_25 : i32
    %convert_element_type3A_27 = arith.extui %eq3A_26 : i1 to i32
    %cond3A_28 = arith.constant 0 : i32
    %cond3A_29 = arith.cmpi ne, %convert_element_type3A_27, %cond3A_28 : i32
    scf.if %cond3A_29 {
      %get3A_30 = arith.constant 0 : index
      %get3A_31 = arith.constant 0 : index
      %get3A_32 = vector.load %arg4[%get3A_30, %get3A_31] : memref<1024x128xf32, #tpu.memory_space<vmem>>, vector<1024x128xf32>
      %max3A = arith.constant 1.000000e+00 : f32
      %max3A_33 = vector.broadcast %max3A : f32 to vector<1024x128xf32>
      %max3A_34 = arith.maximumf %get3A_32, %max3A_33 : vector<1024x128xf32>
      %div3A = arith.constant 1.000000e+00 : f32
      %div3A_35 = vector.broadcast %div3A : f32 to vector<1024x128xf32>
      %div3A_36 = arith.divf %div3A_35, %max3A_34 : vector<1024x128xf32>
      %swap3A_37 = arith.constant 0 : index
      %swap3A_38 = arith.constant 0 : index
      %swap3A_39 = vector.load %arg4[%swap3A_37, %swap3A_38] : memref<1024x128xf32, #tpu.memory_space<vmem>>, vector<1024x128xf32>
      tpu.vector_store %arg4[%swap3A_37, %swap3A_38], %div3A_36 {strides = array<i32>} : memref<1024x128xf32, #tpu.memory_space<vmem>>, vector<1024x128xf32>,
    } else {
    }
    return
  }
  func.func @transform_0(%arg0: i32, %arg1: i32) -> (i32, i32) {
    %c0_i32 = arith.constant 0 : i32
    %c0_i32_0 = arith.constant 0 : i32
    return %c0_i32, %arg1 : i32, i32
  }
  func.func @transform_1(%arg0: i32, %arg1: i32) -> (i32, i32) {
    %c0_i32 = arith.constant 0 : i32
    %c0_i32_0 = arith.constant 0 : i32
    return %c0_i32, %arg1 : i32, i32
  }
  func.func @transform_2(%arg0: i32, %arg1: i32) -> (i32, i32) {
    %c0_i32 = arith.constant 0 : i32
    %c0_i32_0 = arith.constant 0 : i32
    return %arg0, %c0_i32 : i32, i32
  }
}

module attributes {stable_mosaic.version = 14 : i64} {
  func.func @kern(%arg0: i32, %arg1: i32, %arg2: memref<2000x128xf32, #tpu.memory_space<vmem>>, %arg3: memref<1x128x128xf32, #tpu.memory_space<vmem>>, %arg4: memref<1x2000x128xf32, #tpu.memory_space<vmem>>) attributes {dimension_semantics = [#tpu.dimension_semantics<arbitrary>, #tpu.dimension_semantics<arbitrary>], iteration_bounds = array<i64: 8, 5>, scalar_prefetch = 0 : i64, scratch_operands = 0 : i64, tpu.core_type = #tpu.core_type<tc>, window_params = [{transform_indices = @transform_0, window_bounds = array<i64: 2000, 128>}, {transform_indices = @transform_1, window_bounds = array<i64: 1, 128, 128>}, {transform_indices = @transform_2, window_bounds = array<i64: 1, 2000, 128>}]} {
    %get3A = arith.constant 0 : index
    %get3A_0 = arith.constant 0 : index
    %get3A_1 = vector.load %arg2[%get3A, %get3A_0] : memref<2000x128xf32, #tpu.memory_space<vmem>>, vector<2000x128xf32>
    %get3A_2 = arith.constant 0 : index
    %get3A_3 = arith.constant 0 : index
    %get3A_4 = arith.constant 0 : index
    %get3A_5 = vector.load %arg3[%get3A_2, %get3A_3, %get3A_4] : memref<1x128x128xf32, #tpu.memory_space<vmem>>, vector<1x128x128xf32>
    %get3A_6 = vector.shape_cast %get3A_5 : vector<1x128x128xf32> to vector<128x128xf32>
    %dot_general3A = arith.constant dense<0.000000e+00> : vector<2000x128xf32>
    %dot_general3A_7 = tpu.matmul %get3A_1, %get3A_6, %dot_general3A {dimension_numbers = #tpu.dot_dimension_numbers<[1], [0], [0], [1], [0, 0, 1, 1], [], []>, transpose_lhs_hint = false} : vector<2000x128xf32>, vector<128x128xf32>, vector<2000x128xf32> -> vector<2000x128xf32>
    %swap3A = arith.constant 0 : index
    %swap3A_8 = arith.constant 0 : index
    %swap3A_9 = arith.constant 0 : index
    %swap3A_10 = vector.load %arg4[%swap3A, %swap3A_8, %swap3A_9] : memref<1x2000x128xf32, #tpu.memory_space<vmem>>, vector<1x2000x128xf32>
    %swap3A_11 = vector.shape_cast %swap3A_10 : vector<1x2000x128xf32> to vector<2000x128xf32>
    %swap3A_12 = vector.shape_cast %dot_general3A_7 : vector<2000x128xf32> to vector<1x2000x128xf32>
    tpu.vector_store %arg4[%swap3A, %swap3A_8, %swap3A_9], %swap3A_12 {strides = array<i32>} : memref<1x2000x128xf32, #tpu.memory_space<vmem>>, vector<1x2000x128xf32>,
    return
  }
  func.func @transform_0(%arg0: i32, %arg1: i32) -> (i32, i32) {
    %c0_i32 = arith.constant 0 : i32
    %c0_i32_0 = arith.constant 0 : i32
    return %arg1, %c0_i32 : i32, i32
  }
  func.func @transform_1(%arg0: i32, %arg1: i32) -> (i32, i32, i32) {
    %c0_i32 = arith.constant 0 : i32
    %c0_i32_0 = arith.constant 0 : i32
    %c0_i32_1 = arith.constant 0 : i32
    return %arg0, %c0_i32, %c0_i32_0 : i32, i32, i32
  }
  func.func @transform_2(%arg0: i32, %arg1: i32) -> (i32, i32, i32) {
    %c0_i32 = arith.constant 0 : i32
    %c0_i32_0 = arith.constant 0 : i32
    return %arg0, %arg1, %c0_i32 : i32, i32, i32
  }
}

module attributes {stable_mosaic.version = 14 : i64} {
  func.func @kern(%arg0: i32, %arg1: i32, %arg2: memref<1x640xi32, #tpu.memory_space<vmem>>, %arg3: memref<640x128xf32, #tpu.memory_space<vmem>>, %arg4: memref<640x128xf32, #tpu.memory_space<vmem>>, %arg5: memref<1024x128xf32, #tpu.memory_space<vmem>>, %arg6: memref<128x128xf32, #tpu.memory_space<vmem>>, %arg7: memref<1x128xf32, #tpu.memory_space<vmem>>, %arg8: memref<1024x128xf32, #tpu.memory_space<vmem>>) attributes {dimension_semantics = [#tpu.dimension_semantics<arbitrary>, #tpu.dimension_semantics<arbitrary>], iteration_bounds = array<i64: 10, 500>, scalar_prefetch = 0 : i64, scratch_operands = 0 : i64, tpu.core_type = #tpu.core_type<tc>, window_params = [{transform_indices = @transform_0, window_bounds = array<i64: 1, 640>}, {transform_indices = @transform_1, window_bounds = array<i64: 640, 128>}, {transform_indices = @transform_2, window_bounds = array<i64: 640, 128>}, {transform_indices = @transform_3, window_bounds = array<i64: 1024, 128>}, {pipeline_mode = #tpu.pipeline_mode<synchronous>, transform_indices = @transform_4, window_bounds = array<i64: 128, 128>}, {pipeline_mode = #tpu.pipeline_mode<synchronous>, transform_indices = @transform_5, window_bounds = array<i64: 1, 128>}, {transform_indices = @transform_6, window_bounds = array<i64: 1024, 128>}]} {
    %eq3A = arith.constant 0 : i32
    %eq3A_0 = arith.cmpi eq, %arg1, %eq3A : i32
    %convert_element_type3A = arith.extui %eq3A_0 : i1 to i32
    %cond3A = arith.constant 0 : i32
    %cond3A_1 = arith.cmpi ne, %convert_element_type3A, %cond3A : i32
    scf.if %cond3A_1 {
      %broadcast_in_dim3A = arith.constant 0.000000e+00 : f32
      %broadcast_in_dim3A_30 = vector.broadcast %broadcast_in_dim3A : f32 to vector<1024x128xf32>
      %swap3A_31 = arith.constant 0 : index
      %swap3A_32 = arith.constant 0 : index
      %swap3A_33 = vector.load %arg8[%swap3A_31, %swap3A_32] : memref<1024x128xf32, #tpu.memory_space<vmem>>, vector<1024x128xf32>
      tpu.vector_store %arg8[%swap3A_31, %swap3A_32], %broadcast_in_dim3A_30 {strides = array<i32>} : memref<1024x128xf32, #tpu.memory_space<vmem>>, vector<1024x128xf32>,
    } else {
    }
    %iota3A = tpu.iota {dimensions = array<i32: 0>} : vector<1024x640xi32>
    %mul3A = arith.constant 1024 : i32
    %mul3A_2 = arith.muli %arg0, %mul3A : i32
    %add3A = vector.broadcast %mul3A_2 : i32 to vector<1024x640xi32>
    %add3A_3 = arith.addi %iota3A, %add3A : vector<1024x640xi32>
    %get3A = arith.constant 0 : index
    %get3A_4 = arith.constant 0 : index
    %get3A_5 = vector.load %arg2[%get3A, %get3A_4] : memref<1x640xi32, #tpu.memory_space<vmem>>, vector<1x640xi32>
    %eq3A_6 = vector.broadcast %get3A_5 : vector<1x640xi32> to vector<1024x640xi32>
    %eq3A_7 = arith.cmpi eq, %add3A_3, %eq3A_6 : vector<1024x640xi32>
    %convert_element_type3A_8 = arith.extui %eq3A_7 : vector<1024x640xi1> to vector<1024x640xi32>
    %convert_element_type3A_9 = arith.sitofp %convert_element_type3A_8 : vector<1024x640xi32> to vector<1024x640xf32>
    %get3A_10 = arith.constant 0 : index
    %get3A_11 = arith.constant 0 : index
    %get3A_12 = vector.load %arg3[%get3A_10, %get3A_11] : memref<640x128xf32, #tpu.memory_space<vmem>>, vector<640x128xf32>
    %get3A_13 = arith.constant 0 : index
    %get3A_14 = arith.constant 0 : index
    %get3A_15 = vector.load %arg4[%get3A_13, %get3A_14] : memref<640x128xf32, #tpu.memory_space<vmem>>, vector<640x1xf32>
    %mul3A_16 = vector.broadcast %get3A_15 : vector<640x1xf32> to vector<640x128xf32>
    %mul3A_17 = arith.mulf %get3A_12, %mul3A_16 : vector<640x128xf32>
    %get3A_18 = arith.constant 0 : index
    %get3A_19 = arith.constant 0 : index
    %get3A_20 = vector.load %arg8[%get3A_18, %get3A_19] : memref<1024x128xf32, #tpu.memory_space<vmem>>, vector<1024x128xf32>
    %dot_general3A = arith.constant dense<0.000000e+00> : vector<1024x128xf32>
    %dot_general3A_21 = tpu.matmul %convert_element_type3A_9, %mul3A_17, %dot_general3A {dimension_numbers = #tpu.dot_dimension_numbers<[1], [0], [0], [1], [0, 0, 1, 1], [], []>, transpose_lhs_hint = false} : vector<1024x640xf32>, vector<640x128xf32>, vector<1024x128xf32> -> vector<1024x128xf32>
    %add3A_22 = arith.addf %get3A_20, %dot_general3A_21 : vector<1024x128xf32>
    %swap3A = arith.constant 0 : index
    %swap3A_23 = arith.constant 0 : index
    %swap3A_24 = vector.load %arg8[%swap3A, %swap3A_23] : memref<1024x128xf32, #tpu.memory_space<vmem>>, vector<1024x128xf32>
    tpu.vector_store %arg8[%swap3A, %swap3A_23], %add3A_22 {strides = array<i32>} : memref<1024x128xf32, #tpu.memory_space<vmem>>, vector<1024x128xf32>,
    %eq3A_25 = arith.constant 499 : i32
    %eq3A_26 = arith.cmpi eq, %arg1, %eq3A_25 : i32
    %convert_element_type3A_27 = arith.extui %eq3A_26 : i1 to i32
    %cond3A_28 = arith.constant 0 : i32
    %cond3A_29 = arith.cmpi ne, %convert_element_type3A_27, %cond3A_28 : i32
    scf.if %cond3A_29 {
      %get3A_30 = arith.constant 0 : index
      %get3A_31 = arith.constant 0 : index
      %get3A_32 = vector.load %arg8[%get3A_30, %get3A_31] : memref<1024x128xf32, #tpu.memory_space<vmem>>, vector<1024x128xf32>
      %get3A_33 = arith.constant 0 : index
      %get3A_34 = arith.constant 0 : index
      %get3A_35 = vector.load %arg7[%get3A_33, %get3A_34] : memref<1x128xf32, #tpu.memory_space<vmem>>, vector<1x128xf32>
      %add3A_36 = vector.broadcast %get3A_35 : vector<1x128xf32> to vector<1024x128xf32>
      %add3A_37 = arith.addf %get3A_32, %add3A_36 : vector<1024x128xf32>
      %get3A_38 = arith.constant 0 : index
      %get3A_39 = arith.constant 0 : index
      %get3A_40 = vector.load %arg5[%get3A_38, %get3A_39] : memref<1024x128xf32, #tpu.memory_space<vmem>>, vector<1024x128xf32>
      %get3A_41 = arith.constant 0 : index
      %get3A_42 = arith.constant 0 : index
      %get3A_43 = vector.load %arg6[%get3A_41, %get3A_42] : memref<128x128xf32, #tpu.memory_space<vmem>>, vector<128x128xf32>
      %dot_general3A_44 = arith.constant dense<0.000000e+00> : vector<1024x128xf32>
      %dot_general3A_45 = tpu.matmul %get3A_40, %get3A_43, %dot_general3A_44 {dimension_numbers = #tpu.dot_dimension_numbers<[1], [0], [0], [1], [0, 0, 1, 1], [], []>, transpose_lhs_hint = false} : vector<1024x128xf32>, vector<128x128xf32>, vector<1024x128xf32> -> vector<1024x128xf32>
      %add3A_46 = arith.addf %add3A_37, %dot_general3A_45 : vector<1024x128xf32>
      %max3A = arith.constant 0.000000e+00 : f32
      %max3A_47 = vector.broadcast %max3A : f32 to vector<1024x128xf32>
      %max3A_48 = arith.maximumf %add3A_46, %max3A_47 : vector<1024x128xf32>
      %swap3A_49 = arith.constant 0 : index
      %swap3A_50 = arith.constant 0 : index
      %swap3A_51 = vector.load %arg8[%swap3A_49, %swap3A_50] : memref<1024x128xf32, #tpu.memory_space<vmem>>, vector<1024x128xf32>
      tpu.vector_store %arg8[%swap3A_49, %swap3A_50], %max3A_48 {strides = array<i32>} : memref<1024x128xf32, #tpu.memory_space<vmem>>, vector<1024x128xf32>,
    } else {
    }
    return
  }
  func.func @transform_0(%arg0: i32, %arg1: i32) -> (i32, i32) {
    %c0_i32 = arith.constant 0 : i32
    %c0_i32_0 = arith.constant 0 : i32
    return %c0_i32, %arg1 : i32, i32
  }
  func.func @transform_1(%arg0: i32, %arg1: i32) -> (i32, i32) {
    %c0_i32 = arith.constant 0 : i32
    %c0_i32_0 = arith.constant 0 : i32
    return %arg1, %c0_i32 : i32, i32
  }
  func.func @transform_2(%arg0: i32, %arg1: i32) -> (i32, i32) {
    %c0_i32 = arith.constant 0 : i32
    %c0_i32_0 = arith.constant 0 : i32
    return %arg1, %c0_i32 : i32, i32
  }
  func.func @transform_3(%arg0: i32, %arg1: i32) -> (i32, i32) {
    %c0_i32 = arith.constant 0 : i32
    %c0_i32_0 = arith.constant 0 : i32
    return %arg0, %c0_i32 : i32, i32
  }
  func.func @transform_4(%arg0: i32, %arg1: i32) -> (i32, i32) {
    %c0_i32 = arith.constant 0 : i32
    %c0_i32_0 = arith.constant 0 : i32
    %c0_i32_1 = arith.constant 0 : i32
    return %c0_i32, %c0_i32_0 : i32, i32
  }
  func.func @transform_5(%arg0: i32, %arg1: i32) -> (i32, i32) {
    %c0_i32 = arith.constant 0 : i32
    %c0_i32_0 = arith.constant 0 : i32
    %c0_i32_1 = arith.constant 0 : i32
    return %c0_i32, %c0_i32_0 : i32, i32
  }
  func.func @transform_6(%arg0: i32, %arg1: i32) -> (i32, i32) {
    %c0_i32 = arith.constant 0 : i32
    %c0_i32_0 = arith.constant 0 : i32
    return %arg0, %c0_i32 : i32, i32
  }
}

module attributes {stable_mosaic.version = 14 : i64} {
  func.func @kern(%arg0: i32, %arg1: i32, %arg2: memref<1x640xi32, #tpu.memory_space<vmem>>, %arg3: memref<640x128xf32, #tpu.memory_space<vmem>>, %arg4: memref<640x128xf32, #tpu.memory_space<vmem>>, %arg5: memref<1024x128xf32, #tpu.memory_space<vmem>>, %arg6: memref<128x128xf32, #tpu.memory_space<vmem>>, %arg7: memref<1x128xf32, #tpu.memory_space<vmem>>, %arg8: memref<1024x128xf32, #tpu.memory_space<vmem>>) attributes {dimension_semantics = [#tpu.dimension_semantics<arbitrary>, #tpu.dimension_semantics<arbitrary>], iteration_bounds = array<i64: 10, 500>, scalar_prefetch = 0 : i64, scratch_operands = 0 : i64, tpu.core_type = #tpu.core_type<tc>, window_params = [{transform_indices = @transform_0, window_bounds = array<i64: 1, 640>}, {transform_indices = @transform_1, window_bounds = array<i64: 640, 128>}, {transform_indices = @transform_2, window_bounds = array<i64: 640, 128>}, {transform_indices = @transform_3, window_bounds = array<i64: 1024, 128>}, {pipeline_mode = #tpu.pipeline_mode<synchronous>, transform_indices = @transform_4, window_bounds = array<i64: 128, 128>}, {pipeline_mode = #tpu.pipeline_mode<synchronous>, transform_indices = @transform_5, window_bounds = array<i64: 1, 128>}, {transform_indices = @transform_6, window_bounds = array<i64: 1024, 128>}]} {
    %eq3A = arith.constant 0 : i32
    %eq3A_0 = arith.cmpi eq, %arg1, %eq3A : i32
    %convert_element_type3A = arith.extui %eq3A_0 : i1 to i32
    %cond3A = arith.constant 0 : i32
    %cond3A_1 = arith.cmpi ne, %convert_element_type3A, %cond3A : i32
    scf.if %cond3A_1 {
      %broadcast_in_dim3A = arith.constant 0.000000e+00 : f32
      %broadcast_in_dim3A_30 = vector.broadcast %broadcast_in_dim3A : f32 to vector<1024x128xf32>
      %swap3A_31 = arith.constant 0 : index
      %swap3A_32 = arith.constant 0 : index
      %swap3A_33 = vector.load %arg8[%swap3A_31, %swap3A_32] : memref<1024x128xf32, #tpu.memory_space<vmem>>, vector<1024x128xf32>
      tpu.vector_store %arg8[%swap3A_31, %swap3A_32], %broadcast_in_dim3A_30 {strides = array<i32>} : memref<1024x128xf32, #tpu.memory_space<vmem>>, vector<1024x128xf32>,
    } else {
    }
    %iota3A = tpu.iota {dimensions = array<i32: 0>} : vector<1024x640xi32>
    %mul3A = arith.constant 1024 : i32
    %mul3A_2 = arith.muli %arg0, %mul3A : i32
    %add3A = vector.broadcast %mul3A_2 : i32 to vector<1024x640xi32>
    %add3A_3 = arith.addi %iota3A, %add3A : vector<1024x640xi32>
    %get3A = arith.constant 0 : index
    %get3A_4 = arith.constant 0 : index
    %get3A_5 = vector.load %arg2[%get3A, %get3A_4] : memref<1x640xi32, #tpu.memory_space<vmem>>, vector<1x640xi32>
    %eq3A_6 = vector.broadcast %get3A_5 : vector<1x640xi32> to vector<1024x640xi32>
    %eq3A_7 = arith.cmpi eq, %add3A_3, %eq3A_6 : vector<1024x640xi32>
    %convert_element_type3A_8 = arith.extui %eq3A_7 : vector<1024x640xi1> to vector<1024x640xi32>
    %convert_element_type3A_9 = arith.sitofp %convert_element_type3A_8 : vector<1024x640xi32> to vector<1024x640xf32>
    %get3A_10 = arith.constant 0 : index
    %get3A_11 = arith.constant 0 : index
    %get3A_12 = vector.load %arg3[%get3A_10, %get3A_11] : memref<640x128xf32, #tpu.memory_space<vmem>>, vector<640x128xf32>
    %get3A_13 = arith.constant 0 : index
    %get3A_14 = arith.constant 0 : index
    %get3A_15 = vector.load %arg4[%get3A_13, %get3A_14] : memref<640x128xf32, #tpu.memory_space<vmem>>, vector<640x1xf32>
    %mul3A_16 = vector.broadcast %get3A_15 : vector<640x1xf32> to vector<640x128xf32>
    %mul3A_17 = arith.mulf %get3A_12, %mul3A_16 : vector<640x128xf32>
    %get3A_18 = arith.constant 0 : index
    %get3A_19 = arith.constant 0 : index
    %get3A_20 = vector.load %arg8[%get3A_18, %get3A_19] : memref<1024x128xf32, #tpu.memory_space<vmem>>, vector<1024x128xf32>
    %dot_general3A = arith.constant dense<0.000000e+00> : vector<1024x128xf32>
    %dot_general3A_21 = tpu.matmul %convert_element_type3A_9, %mul3A_17, %dot_general3A {dimension_numbers = #tpu.dot_dimension_numbers<[1], [0], [0], [1], [0, 0, 1, 1], [], []>, transpose_lhs_hint = false} : vector<1024x640xf32>, vector<640x128xf32>, vector<1024x128xf32> -> vector<1024x128xf32>
    %add3A_22 = arith.addf %get3A_20, %dot_general3A_21 : vector<1024x128xf32>
    %swap3A = arith.constant 0 : index
    %swap3A_23 = arith.constant 0 : index
    %swap3A_24 = vector.load %arg8[%swap3A, %swap3A_23] : memref<1024x128xf32, #tpu.memory_space<vmem>>, vector<1024x128xf32>
    tpu.vector_store %arg8[%swap3A, %swap3A_23], %add3A_22 {strides = array<i32>} : memref<1024x128xf32, #tpu.memory_space<vmem>>, vector<1024x128xf32>,
    %eq3A_25 = arith.constant 499 : i32
    %eq3A_26 = arith.cmpi eq, %arg1, %eq3A_25 : i32
    %convert_element_type3A_27 = arith.extui %eq3A_26 : i1 to i32
    %cond3A_28 = arith.constant 0 : i32
    %cond3A_29 = arith.cmpi ne, %convert_element_type3A_27, %cond3A_28 : i32
    scf.if %cond3A_29 {
      %get3A_30 = arith.constant 0 : index
      %get3A_31 = arith.constant 0 : index
      %get3A_32 = vector.load %arg8[%get3A_30, %get3A_31] : memref<1024x128xf32, #tpu.memory_space<vmem>>, vector<1024x128xf32>
      %get3A_33 = arith.constant 0 : index
      %get3A_34 = arith.constant 0 : index
      %get3A_35 = vector.load %arg7[%get3A_33, %get3A_34] : memref<1x128xf32, #tpu.memory_space<vmem>>, vector<1x128xf32>
      %add3A_36 = vector.broadcast %get3A_35 : vector<1x128xf32> to vector<1024x128xf32>
      %add3A_37 = arith.addf %get3A_32, %add3A_36 : vector<1024x128xf32>
      %get3A_38 = arith.constant 0 : index
      %get3A_39 = arith.constant 0 : index
      %get3A_40 = vector.load %arg5[%get3A_38, %get3A_39] : memref<1024x128xf32, #tpu.memory_space<vmem>>, vector<1024x128xf32>
      %get3A_41 = arith.constant 0 : index
      %get3A_42 = arith.constant 0 : index
      %get3A_43 = vector.load %arg6[%get3A_41, %get3A_42] : memref<128x128xf32, #tpu.memory_space<vmem>>, vector<128x128xf32>
      %dot_general3A_44 = arith.constant dense<0.000000e+00> : vector<1024x128xf32>
      %dot_general3A_45 = tpu.matmul %get3A_40, %get3A_43, %dot_general3A_44 {dimension_numbers = #tpu.dot_dimension_numbers<[1], [0], [0], [1], [0, 0, 1, 1], [], []>, transpose_lhs_hint = false} : vector<1024x128xf32>, vector<128x128xf32>, vector<1024x128xf32> -> vector<1024x128xf32>
      %add3A_46 = arith.addf %add3A_37, %dot_general3A_45 : vector<1024x128xf32>
      %swap3A_47 = arith.constant 0 : index
      %swap3A_48 = arith.constant 0 : index
      %swap3A_49 = vector.load %arg8[%swap3A_47, %swap3A_48] : memref<1024x128xf32, #tpu.memory_space<vmem>>, vector<1024x128xf32>
      tpu.vector_store %arg8[%swap3A_47, %swap3A_48], %add3A_46 {strides = array<i32>} : memref<1024x128xf32, #tpu.memory_space<vmem>>, vector<1024x128xf32>,
    } else {
    }
    return
  }
  func.func @transform_0(%arg0: i32, %arg1: i32) -> (i32, i32) {
    %c0_i32 = arith.constant 0 : i32
    %c0_i32_0 = arith.constant 0 : i32
    return %c0_i32, %arg1 : i32, i32
  }
  func.func @transform_1(%arg0: i32, %arg1: i32) -> (i32, i32) {
    %c0_i32 = arith.constant 0 : i32
    %c0_i32_0 = arith.constant 0 : i32
    return %arg1, %c0_i32 : i32, i32
  }
  func.func @transform_2(%arg0: i32, %arg1: i32) -> (i32, i32) {
    %c0_i32 = arith.constant 0 : i32
    %c0_i32_0 = arith.constant 0 : i32
    return %arg1, %c0_i32 : i32, i32
  }
  func.func @transform_3(%arg0: i32, %arg1: i32) -> (i32, i32) {
    %c0_i32 = arith.constant 0 : i32
    %c0_i32_0 = arith.constant 0 : i32
    return %arg0, %c0_i32 : i32, i32
  }
  func.func @transform_4(%arg0: i32, %arg1: i32) -> (i32, i32) {
    %c0_i32 = arith.constant 0 : i32
    %c0_i32_0 = arith.constant 0 : i32
    %c0_i32_1 = arith.constant 0 : i32
    return %c0_i32, %c0_i32_0 : i32, i32
  }
  func.func @transform_5(%arg0: i32, %arg1: i32) -> (i32, i32) {
    %c0_i32 = arith.constant 0 : i32
    %c0_i32_0 = arith.constant 0 : i32
    %c0_i32_1 = arith.constant 0 : i32
    return %c0_i32, %c0_i32_0 : i32, i32
  }
  func.func @transform_6(%arg0: i32, %arg1: i32) -> (i32, i32) {
    %c0_i32 = arith.constant 0 : i32
    %c0_i32_0 = arith.constant 0 : i32
    return %arg0, %c0_i32 : i32, i32
  }
}

module attributes {stable_mosaic.version = 14 : i64} {
  func.func @kern(%arg0: i32, %arg1: memref<1000x128xf32, #tpu.memory_space<vmem>>, %arg2: memref<1000x128xf32, #tpu.memory_space<vmem>>, %arg3: memref<128x128xf32, #tpu.memory_space<vmem>>, %arg4: memref<128x128xf32, #tpu.memory_space<vmem>>, %arg5: memref<1x128xf32, #tpu.memory_space<vmem>>, %arg6: memref<1000x128xf32, #tpu.memory_space<vmem>>) attributes {dimension_semantics = [#tpu.dimension_semantics<arbitrary>], iteration_bounds = array<i64: 100>, scalar_prefetch = 0 : i64, scratch_operands = 0 : i64, tpu.core_type = #tpu.core_type<tc>, window_params = [{transform_indices = @transform_0, window_bounds = array<i64: 1000, 128>}, {transform_indices = @transform_1, window_bounds = array<i64: 1000, 128>}, {pipeline_mode = #tpu.pipeline_mode<synchronous>, transform_indices = @transform_2, window_bounds = array<i64: 128, 128>}, {pipeline_mode = #tpu.pipeline_mode<synchronous>, transform_indices = @transform_3, window_bounds = array<i64: 128, 128>}, {pipeline_mode = #tpu.pipeline_mode<synchronous>, transform_indices = @transform_4, window_bounds = array<i64: 1, 128>}, {transform_indices = @transform_5, window_bounds = array<i64: 1000, 128>}]} {
    %get3A = arith.constant 0 : index
    %get3A_0 = arith.constant 0 : index
    %get3A_1 = vector.load %arg1[%get3A, %get3A_0] : memref<1000x128xf32, #tpu.memory_space<vmem>>, vector<1000x128xf32>
    %get3A_2 = arith.constant 0 : index
    %get3A_3 = arith.constant 0 : index
    %get3A_4 = vector.load %arg3[%get3A_2, %get3A_3] : memref<128x128xf32, #tpu.memory_space<vmem>>, vector<128x128xf32>
    %dot_general3A = arith.constant dense<0.000000e+00> : vector<1000x128xf32>
    %dot_general3A_5 = tpu.matmul %get3A_1, %get3A_4, %dot_general3A {dimension_numbers = #tpu.dot_dimension_numbers<[1], [0], [0], [1], [0, 0, 1, 1], [], []>, transpose_lhs_hint = false} : vector<1000x128xf32>, vector<128x128xf32>, vector<1000x128xf32> -> vector<1000x128xf32>
    %get3A_6 = arith.constant 0 : index
    %get3A_7 = arith.constant 0 : index
    %get3A_8 = vector.load %arg2[%get3A_6, %get3A_7] : memref<1000x128xf32, #tpu.memory_space<vmem>>, vector<1000x128xf32>
    %get3A_9 = arith.constant 0 : index
    %get3A_10 = arith.constant 0 : index
    %get3A_11 = vector.load %arg4[%get3A_9, %get3A_10] : memref<128x128xf32, #tpu.memory_space<vmem>>, vector<128x128xf32>
    %dot_general3A_12 = arith.constant dense<0.000000e+00> : vector<1000x128xf32>
    %dot_general3A_13 = tpu.matmul %get3A_8, %get3A_11, %dot_general3A_12 {dimension_numbers = #tpu.dot_dimension_numbers<[1], [0], [0], [1], [0, 0, 1, 1], [], []>, transpose_lhs_hint = false} : vector<1000x128xf32>, vector<128x128xf32>, vector<1000x128xf32> -> vector<1000x128xf32>
    %add3A = arith.addf %dot_general3A_5, %dot_general3A_13 : vector<1000x128xf32>
    %get3A_14 = arith.constant 0 : index
    %get3A_15 = arith.constant 0 : index
    %get3A_16 = vector.load %arg5[%get3A_14, %get3A_15] : memref<1x128xf32, #tpu.memory_space<vmem>>, vector<1x128xf32>
    %add3A_17 = vector.broadcast %get3A_16 : vector<1x128xf32> to vector<1000x128xf32>
    %add3A_18 = arith.addf %add3A, %add3A_17 : vector<1000x128xf32>
    %swap3A = arith.constant 0 : index
    %swap3A_19 = arith.constant 0 : index
    %swap3A_20 = vector.load %arg6[%swap3A, %swap3A_19] : memref<1000x128xf32, #tpu.memory_space<vmem>>, vector<1000x128xf32>
    tpu.vector_store %arg6[%swap3A, %swap3A_19], %add3A_18 {strides = array<i32>} : memref<1000x128xf32, #tpu.memory_space<vmem>>, vector<1000x128xf32>,
    return
  }
  func.func @transform_0(%arg0: i32) -> (i32, i32) {
    %c0_i32 = arith.constant 0 : i32
    %c0_i32_0 = arith.constant 0 : i32
    return %arg0, %c0_i32 : i32, i32
  }
  func.func @transform_1(%arg0: i32) -> (i32, i32) {
    %c0_i32 = arith.constant 0 : i32
    %c0_i32_0 = arith.constant 0 : i32
    return %arg0, %c0_i32 : i32, i32
  }
  func.func @transform_2(%arg0: i32) -> (i32, i32) {
    %c0_i32 = arith.constant 0 : i32
    %c0_i32_0 = arith.constant 0 : i32
    %c0_i32_1 = arith.constant 0 : i32
    return %c0_i32, %c0_i32_0 : i32, i32
  }
  func.func @transform_3(%arg0: i32) -> (i32, i32) {
    %c0_i32 = arith.constant 0 : i32
    %c0_i32_0 = arith.constant 0 : i32
    %c0_i32_1 = arith.constant 0 : i32
    return %c0_i32, %c0_i32_0 : i32, i32
  }
  func.func @transform_4(%arg0: i32) -> (i32, i32) {
    %c0_i32 = arith.constant 0 : i32
    %c0_i32_0 = arith.constant 0 : i32
    %c0_i32_1 = arith.constant 0 : i32
    return %c0_i32, %c0_i32_0 : i32, i32
  }
  func.func @transform_5(%arg0: i32) -> (i32, i32) {
    %c0_i32 = arith.constant 0 : i32
    %c0_i32_0 = arith.constant 0 : i32
    return %arg0, %c0_i32 : i32, i32
  }
}

</mosaic_0001>

<sc_bundles>
// kernel: kernel.12.cloned.1.call-start
scs
__scs_entry_jumppad:
0x0: {  	(pc) =	sbr.rel $0x88, $3  }
0x1: {  	(tag) =	ssettag $0x0;
	lr =	simm.s32 $0x1  }
0x2: {  	[smem:$0x3F95] =	sst lr;
	_ =	strace $0xD0000000  }
0x3: {  	_ = 	snop  }
0x4: {  	_ = 	snop  }
0x5: {  	_ = 	snop  }
0x6: {  	_ = 	snop  }
0x7: {  	_ = 	snop  }
__scs_overlays_trampoline_lowered:
0x8: {  	[smem:$0x3FA4] =	sst s0  }
0x9: {  	[smem:$0x3FA5] =	sst s1  }
0xa: {  	[smem:$0x3FA6] =	sst s2  }
0xb: {  	[smem:$0x3FA7] =	sst s3  }
0xc: {  	[smem:$0x3FA8] =	sst s4  }
0xd: {  	[smem:$0x3FA9] =	sst s5  }
0xe: {  	[smem:$0x3FAA] =	sst s6  }
0xf: {  	[smem:$0x3FAB] =	sst s7  }
0x10: {  	[smem:$0x3FAC] =	sst s8  }
0x11: {  	[smem:$0x3FAD] =	sst s9;
	s0 =	simm.s32 @!p0 $0x0  }
0x12: {  	s1 =	sld [smem:$0x3F93];
	s0 =	simm.s32 @p0 $0x1  }
0x13: {  	[smem:$0x3FAE] =	sst s0;
	s0 =	simm.s32 @!p1 $0x0  }
0x14: {  	s2 =	sld [smem:$0x3F92];
	s0 =	simm.s32 @p1 $0x1  }
0x15: {  	[smem:$0x3FAF] =	sst s0;
	s0 =	simm.s32 @!p2 $0x0  }
0x16: {  	s3 =	sld [smem:$0x3FDB];
	s0 =	simm.s32 @p2 $0x1  }
0x17: {  	s4 =	simm.s32 $0x1BF5;
	[smem:$0x3FB1] =	sst s0  }
0x18: {  	s0 =	sld [smem:$0x3F94];
	_ =	swait.ge [sflag:s4], $0x0  }
0x19: {  	s7 =	sld [smem:$0x3F95]  }
0x1a: {  	s8 =	sadd.s32 $0xFFFFE003, lr  }
0x1b: {  	s9 =	sadd.s32 $0xFFFFFEF7, lr;
	s5 =	simm.s32 $0xFFFFFFFF;
	p2 =	slt.u32 s8, $0xFFFFF086  }
0x1c: {  	p1 =	slt.u32 s9, $0xF7A;
	s5 =	simm.s32 @!p2 $0x0  }
0x1d: {  	s5 =	simm.s32 @p1 $0x1;
	p0 =	seq.s32 s7, s2  }
0x1e: {  	s7 =	smul.u32 @!p0 $0xF7A, s2;
	p2 =	seq.s32 @!p0 s5, $0x0  }
0x1f: {  	s9 =	smul.u32 $0xF7A, s1;
	s8 =	simm.s32 @!p0 $0x1BF5;
	p2 =	por !p2, p0  }
0x20: {  	[sflag:s8] =	ssyncset.s32 @!p0 $0xFFFFF086;
	s6 =	sadd.s32 @!p0 s3, s7;
	s7 =	simm.s32 @!p0 $0x108  }
0x21: {  	s3 =	sadd.s32 s3, s9;
	s6 =	sadd.s32 @!p0 $0x88, s6;
	s7 =	simm.s32 @p2 $0x1082  }
0x22: {  	[simem:s7], [sflag:s8] =	dma.local @!p0 [hbm:s6], $0xF7A  }
0x23: {  	s9 =	sor.u32 $0xD0000000, s2;
	s6 =	simm.s32 $0x108;
	_ =	swait.ge @!p0 [sflag:s8], $0x0  }
0x24: {  	s3 =	sadd.s32 $0x88, s3;
	s6 =	simm.s32 @!p1 $0x1082;
	[sflag:s4] =	ssyncset.s32 $0xFFFFF086  }
0x25: {  	[simem:s6], [sflag:s4] =	dma.local [hbm:s3], $0xF7A  }
0x26: {  	[smem:$0x3F95] =	sst s1;
	(tag) =	ssettag s2;
	_ =	strace s9  }
0x27: {  	s1 =	sld [smem:$0x3FA5]  }
0x28: {  	s2 =	sld [smem:$0x3FA6]  }
0x29: {  	s4 =	sld [smem:$0x3FA8]  }
0x2a: {  	p0 =	seq.s32 s5, $0x0;
	s5 =	sld [smem:$0x3FA9]  }
0x2b: {  	s6 =	sld [smem:$0x3FAA]  }
0x2c: {  	s7 =	sld [smem:$0x3FAB]  }
0x2d: {  	s3 =	simm.s32 $0x108;
	s8 =	sld [smem:$0x3FAC]  }
0x2e: {  	s3 =	simm.s32 @!p0 $0x1082;
	s9 =	sld [smem:$0x3FAD]  }
0x2f: {  	lr =	sadd.s32 s0, s3;
	s0 =	sld [smem:$0x3FA4]  }
0x30: {  	s3 =	sld [smem:$0x3FA7]  }
0x31: {  	[smem:$0x3FB0] =	sst s10  }
0x32: {  	s10 =	sld [smem:$0x3FAE];
	_ =	sdelay $0x3  }
0x33: {  	p0 =	seq.s32 s10, $0x1;
	s10 =	sld [smem:$0x3FB0];
	_ =	sdelay $0x3  }
0x34: {  	[smem:$0x3FB0] =	sst s10  }
0x35: {  	s10 =	sld [smem:$0x3FAF];
	_ =	sdelay $0x3  }
0x36: {  	p1 =	seq.s32 s10, $0x1;
	s10 =	sld [smem:$0x3FB0];
	_ =	sdelay $0x3  }
0x37: {  	[smem:$0x3FB0] =	sst s10  }
0x38: {  	s10 =	sld [smem:$0x3FB1]  }
0x39: {  	_ = 	snop;
	(pc) =	sbr.ind lr, $3  }
0x3a: {  	_ = 	snop  }
0x3b: {  	_ = 	snop  }
0x3c: {  	p2 =	seq.s32 s10, $0x1;
	s10 =	sld [smem:$0x3FB0]  }
0x3d: {  	_ =	shalt  }
0x3e: {  	_ =	shalt  }
0x3f: {  	_ =	shalt  }
0x40: {  	_ =	shalt  }
0x41: {  	_ =	shalt  }
0x42: {  	_ =	shalt  }
0x43: {  	_ =	shalt  }
0x44: {  	_ =	shalt  }
0x45: {  	_ =	shalt  }
0x46: {  	_ =	shalt  }
0x47: {  	_ =	shalt  }
0x48: {  	_ =	shalt  }
0x49: {  	_ =	shalt  }
0x4a: {  	_ =	shalt  }
0x4b: {  	_ =	shalt  }
0x4c: {  	_ =	shalt  }
0x4d: {  	_ =	shalt  }
0x4e: {  	_ =	shalt  }
0x4f: {  	_ =	shalt  }
0x50: {  	_ =	shalt  }
0x51: {  	_ =	shalt  }
0x52: {  	_ =	shalt  }
0x53: {  	_ =	shalt  }
0x54: {  	_ =	shalt  }
0x55: {  	_ =	shalt  }
0x56: {  	_ =	shalt  }
0x57: {  	_ =	shalt  }
0x58: {  	_ =	shalt  }
0x59: {  	_ =	shalt  }
0x5a: {  	_ =	shalt  }
0x5b: {  	_ =	shalt  }
0x5c: {  	_ =	shalt  }
0x5d: {  	_ =	shalt  }
0x5e: {  	_ =	shalt  }
0x5f: {  	_ =	shalt  }
0x60: {  	_ =	shalt  }
0x61: {  	_ =	shalt  }
0x62: {  	_ =	shalt  }
0x63: {  	_ =	shalt  }
0x64: {  	_ =	shalt  }
0x65: {  	_ =	shalt  }
0x66: {  	_ =	shalt  }
0x67: {  	_ =	shalt  }
0x68: {  	_ =	shalt  }
0x69: {  	_ =	shalt  }
0x6a: {  	_ =	shalt  }
0x6b: {  	_ =	shalt  }
0x6c: {  	_ =	shalt  }
0x6d: {  	_ =	shalt  }
0x6e: {  	_ =	shalt  }
0x6f: {  	_ =	shalt  }
0x70: {  	_ =	shalt  }
0x71: {  	_ =	shalt  }
0x72: {  	_ =	shalt  }
0x73: {  	_ =	shalt  }
0x74: {  	_ =	shalt  }
0x75: {  	_ =	shalt  }
0x76: {  	_ =	shalt  }
0x77: {  	_ =	shalt  }
0x78: {  	_ =	shalt  }
0x79: {  	_ =	shalt  }
0x7a: {  	_ =	shalt  }
0x7b: {  	_ =	shalt  }
0x7c: {  	_ =	shalt  }
0x7d: {  	_ =	shalt  }
0x7e: {  	_ =	shalt  }
0x7f: {  	_ =	shalt  }
0x80: {  	_ =	shalt  }
0x81: {  	_ =	shalt  }
0x82: {  	_ =	shalt  }
0x83: {  	_ =	shalt  }
0x84: {  	_ =	shalt  }
0x85: {  	_ =	shalt  }
0x86: {  	_ =	shalt  }
0x87: {  	_ =	shalt  }
.Lfunc_end0:
.L_simem_size_0:
called_computation_lowered:
.L_overlay_start_0:
0x88: {  	s2 =	sld [smem:$0x3FD9]  }
0x89: {  	s3 =	sld [smem:$0x3FFE];
	_ =	sdelay $0x1  }
0x8a: {  	s1 =	srdreg.scid  }
0x8b: {  	s0 =	sand.u32 $0x1, s1  }
0x8c: {  	s17 =	sshll.u32 s0, $0xA;
	s2 =	sadd.s32 s3, s2  }
0x8d: {  	s2 =	sadd.s32 s2, s17  }
0x8e: {  	[smem:$0x3FBC] =	sst s2  }
0x8f: {  	_ = 	snop  }
0x90: {  	s2 =	sld [smem:$0x3FD0];
	(tm) =	ssettm $0x1  }
0x91: {  	s18 =	sld [smem:$0x3FFB];
	_ =	sdelay $0x3  }
0x92: {  	_ =	strace s18  }
0x93: {  	s3 =	sld [smem:$0x3FFC];
	_ =	sdelay $0x3  }
0x94: {  	_ =	strace s3  }
0x95: {  	s3 =	sld [smem:$0x3FFD];
	_ =	sdelay $0x3  }
0x96: {  	_ =	strace s3  }
0x97: {  	_ =	strace $0x8FFFFFFF  }
0x98: {  	s19 =	sld [smem:$0x3FDB];
	_ =	sdelay $0x1  }
0x99: {  	s4 =	simm.s32 $_scs_section_size  }
0x9a: {  	s5 =	simm.s32 $_size__tile_overlayer_lowered;
	s6 =	simm.s32 $_tile_overlayer_lowered  }
0x9b: {  	s22 =	simm.s32 $0x1BFF;
	s21 =	sshll.u32 s6, $0x1;
	s3 =	sadd.s32 s4, s19  }
0x9c: {  	s7 =	simm.s32 $0x0;
	s20 =	sshll.u32 s5, $0x1;
	s5 =	sadd.s32 s21, s3  }
0x9d: {  	[timem:s7], [sflag:s22] =	dma.local [hbm:s5], s20  }
0x9e: {  	_ =	swait.ge [sflag:s22], s20  }
0x9f: {  	s4 =	ssub.s32 $0x0, s20;
	[sflag:s22] =	ssyncset.done $0x0  }
0xa0: {  	[sflag:s22] =	ssyncadd.s32 s4;
	_ =	sdelay $0x1  }
0xa1: {  	s23 =	simm.s32 $0x1B8B  }
0xa2: {  	_ =	swait.ge [sflag:s23], $0x1  }
0xa3: {  	[sflag:s23] =	ssyncset.done $0x0  }
0xa4: {  	s25 =	simm.s32 $0x1B8E;
	s24 =	sld [smem:$0x3FFE];
	[sflag:s23] =	ssyncadd.s32 $0xFFFFFFFF  }
0xa5: {  	s26 =	simm.s32 $execute0_lowered;
	[smem:$0x3FD2] =	sst s25  }
0xa6: {  	s5 =	sshll.u32 s26, $0x1;
	_ =	strace $0x80000046;
	[dreg:$0x1] =	wrdreg $0xFFFFFFFF  }
0xa7: {  	s28 =	simm.s32 $_size_execute0_lowered;
	s3 =	sadd.s32 s3, s5;
	[dreg:$0x0] =	wrdreg $0x0  }
0xa8: {  	s5 =	sshll.u32 s28, $0x1;
	[dreg:$0x2] =	wrdreg s3  }
0xa9: {  	[dreg:$0x3] =	wrdreg s5  }
0xaa: {  	[dreg:$0x4] =	wrdreg $0xC0  }
0xab: {  	_ =	task [dreg:s7], $0x5FFFF  }
0xac: {  	[dreg:$0x1] =	wrdreg $0xFFFFFFFF  }
0xad: {  	[dreg:$0x0] =	wrdreg $0x60  }
0xae: {  	[dreg:$0x2] =	wrdreg s24  }
0xaf: {  	[dreg:$0x3] =	wrdreg s2  }
0xb0: {  	[dreg:$0x4] =	wrdreg $0x9  }
0xb1: {  	_ =	task.clear_ibuf [dreg:s7], $0x5FFFF;
	_ =	strace $0x90000046  }
0xb2: {  	s29 =	simm.s32 $0x9;
	_ =	strace $0x80000048  }
0xb3: {  	_ =	swait.ge [sflag:s29], $0x1  }
0xb4: {  	[sflag:s29] =	ssyncadd.s32 $0xFFFFFFFF  }
0xb5: {  	_ =	strace $0x90000048  }
0xb6: {  	_ =	sfence  }
0xb7: {  	s30 =	sld [smem:$0x0];
	_ =	sdelay $0x2  }
0xb8: {  	s31 =	sshll.u32 s1, $0xD;
	s1 =	sshrl.u32 s1, $0x2  }
0xb9: {  	s3 =	sand.u32 $0x4000, s31;
	s1 =	sadd.s32 s1, s30  }
0xba: {  	s0 =	sor.u32 s3, s0;
	s1 =	sshll.u32 s1, $0x11  }
0xbb: {  	s0 =	sor.u32 s1, s0  }
0xbc: {  	s0 =	sadd.s32 $0x8F2B, s0  }
0xbd: {  	[sflag:s0] =	ssyncadd.remote.s32 $0x1  }
0xbe: {  	_ =	sfence.sel $0xFFFF  }
0xbf: {  	[dreg:$0x0] =	wrdreg $0xFFFFFFFF;
	(pc) =	sbr.abs _section_cstart, $3  }
0xc0: {  	[dreg:$0x1] =	wrdreg $0xFFFFFFFF  }
0xc1: {  	_ =	task.clear_ibuf [dreg:s7], $0x2FFFF;
	_ =	strace $0x9FFFFFFF  }
0xc2: {  	(tm) =	ssettm $0x7FFFFFFF  }
0xc3: {  	_ =	shalt  }
tec
execute0_lowered:
.L_overlay_start_1:
0x0: {  	(tag) =	ssettag $0x1  }
0x1: {  	s4 =	rddreg [dreg:$0x0]  }
0x2: {  	s0 =	stileid.u32;
	s1 =	srdreg.scid  }
0x3: {  	s6 =	rddreg [dreg:$0x1];
	s5 =	smul.u32 $0x4E200, s0  }
0x4: {  	s2 =	simm.s32 $0x0;
	s3 =	sand.u32 $0x1, s1;
	s8 =	smul.u32 $0x4E20, s0  }
0x5: {  	s11 =	simm.s32 $0x0;
	s1 =	rddreg [dreg:$0x2];
	s7 =	smul.u32 $0x27100, s3  }
0x6: {  	[smem:$0x7FF] =	sst s2;
	s9 =	ssub.s32 $0x2, s3;
	s10 =	smul.u32 $0x2710, s3  }
0x7: {  	s3 =	sadd.s32 $0x16200, s4;
	s4 =	sadd.s32 s5, s4;
	s30 =	sshrl.u32 s9, $0x1  }
0x8: {  	_ =	strace $0x80000047;
	s5 =	ssub.s32 s9, s30;
	s7 =	sadd.s32 s7, s4  }
0x9: {  	s8 =	sadd.s32 s10, s8;
	s9 =	simm.s32 $0x80;
	s10 =	simm.s32 $0x1  }
0xa: {  	s4 =	smax.u32 s5, $0x1;
	s5 =	sadd.s32 $0x14EA00, s7;
	s31 =	sshrl.u32 s8, $0x3  }
0xb: {  	s7 =	simm.s32 $0x2;
	s8 =	simm.s32 $0x50;
	s6 =	sadd.s32 s31, s6  }
.LBB2_1:
0xc: {  	s12 =	sadd.s32 $0x0, s6  }
0xd: {  	[tilespmem:s2], [sflag:$0x2] =	stream.linear.gather [hbm4b:s12+s2], $0x50, $0x38;
	[tilespmem:$0x2880] =	vst v63  }
0xe: {  	_ =	swait.ge [sflag:s7], $0x50  }
0xf: {  	[sflag:s7] =	ssyncset.done $0x0  }
0x10: {  	[sflag:s7] =	ssyncadd.s32 $0xFFFFFFB0  }
0x11: {  	[tilespmem:s9], [sflag:$0x1] =	stream.indirect.gather [hbm4b:s3+s8], $0x80, s2, s8, $0xb8;
	[tilespmem:$0x2880] =	vst v63  }
0x12: {  	_ =	swait.ge [sflag:s10], $0x2800  }
0x13: {  	[sflag:s10] =	ssyncset.done $0x0  }
0x14: {  	[sflag:s10] =	ssyncadd.s32 $0xFFFFD800  }
0x15: {  	[hbm4b:s5+s2] =	stream.linear.scatter [tilespmem:s9], [sflag:$0x2], $0x2800, $0x38;
	[tilespmem:$0x2880] =	vst v63  }
0x16: {  	s13 =	simm.s32 $0xA;
	_ =	swait.ge [sflag:s7], $0x2800  }
0x17: {  	s14 =	simm.s32 $0x14;
	s12 =	sadd.s32 $0x500, s5;
	[sflag:s7] =	ssyncset.done $0x0  }
.LBB2_2:
0x18: {  	s15 =	sadd.s32 s13, s6  }
0x19: {  	[sflag:s7] =	ssyncadd.s32 $0xFFFFD800;
	s13 =	smov.u32 s14;
	s16 =	sadd.s32 $0xA, s14  }
0x1a: {  	[tilespmem:s2], [sflag:$0x2] =	stream.linear.gather [hbm4b:s15+s2], $0x50, $0x38;
	[tilespmem:$0x2880] =	vst v63  }
0x1b: {  	p0 =	sne.s32 s14, $0x4D8;
	_ =	swait.ge [sflag:s7], $0x50  }
0x1c: {  	[sflag:s7] =	ssyncset.done $0x0  }
0x1d: {  	[sflag:s7] =	ssyncadd.s32 $0xFFFFFFB0  }
0x1e: {  	[tilespmem:s9], [sflag:$0x1] =	stream.indirect.gather [hbm4b:s3+s8], $0x80, s2, s8, $0xb8;
	[tilespmem:$0x2880] =	vst v63  }
0x1f: {  	_ =	swait.ge [sflag:s10], $0x2800  }
.Ltmp0:
0x20: {  	[sflag:s10] =	ssyncset.done $0x0;
	(pc) =	sbr.rel @p0 .LBB2_2-.Ltmp0, $4  }
0x21: {  	[sflag:s10] =	ssyncadd.s32 $0xFFFFD800  }
0x22: {  	[hbm4b:s12+s2] =	stream.linear.scatter [tilespmem:s9], [sflag:$0x2], $0x2800, $0x38;
	[tilespmem:$0x2880] =	vst v63  }
0x23: {  	_ =	swait.ge [sflag:s7], $0x2800  }
0x24: {  	s14 =	smov.u32 s16;
	s12 =	sadd.s32 $0x500, s12;
	[sflag:s7] =	ssyncset.done $0x0  }
0x25: {  	s13 =	sadd.s32 s13, s6;
	[sflag:s7] =	ssyncadd.s32 $0xFFFFD800  }
0x26: {  	[tilespmem:s2], [sflag:$0x2] =	stream.linear.gather [hbm4b:s13+s2], $0x50, $0x38;
	[tilespmem:$0x2880] =	vst v63  }
0x27: {  	_ =	swait.ge [sflag:s7], $0x50  }
0x28: {  	[sflag:s7] =	ssyncset.done $0x0  }
0x29: {  	[sflag:s7] =	ssyncadd.s32 $0xFFFFFFB0  }
0x2a: {  	[tilespmem:s9], [sflag:$0x1] =	stream.indirect.gather [hbm4b:s3+s8], $0x80, s2, s8, $0xb8;
	[tilespmem:$0x2880] =	vst v63  }
0x2b: {  	s11 =	sadd.s32 $0x1, s11;
	_ =	swait.ge [sflag:s10], $0x2800  }
0x2c: {  	p0 =	sne.s32 s11, s4;
	[sflag:s10] =	ssyncset.done $0x0  }
.Ltmp1:
0x2d: {  	[sflag:s10] =	ssyncadd.s32 $0xFFFFD800;
	(pc) =	sbr.rel @p0 .LBB2_1-.Ltmp1, $4  }
0x2e: {  	[hbm4b:s12+s2] =	stream.linear.scatter [tilespmem:s9], [sflag:$0x2], $0x2800, $0x38;
	[tilespmem:$0x2880] =	vst v63  }
0x2f: {  	_ =	swait.ge [sflag:s7], $0x2800  }
0x30: {  	[sflag:s7] =	ssyncset.done $0x0  }
0x31: {  	[sflag:s7] =	ssyncadd.s32 $0xFFFFD800  }
0x32: {  	_ =	sfence.sel $0x180000  }
0x33: {  	[bflag:$0x0] =	sbarrier.arrive $0xFFFF  }
0x34: {  	p0 =	sne.s32 s0, $0x0;
	_ =	strace $0x90000047  }
0x35: {  	s0 =	sadd.s32 @!p0 $0x100000, s1;
	[bflag:$0x2] =	sbarrier.arrive $0xFFFF  }
0x36: {  	[sflag:s0] =	ssyncadd.tile.s32 @!p0 $0x1;
	_ =	shalt  }
.Lfunc_end2:
_tile_overlayer_lowered:
.L_overlay_start_2:
0x37: {  	(tag) =	ssettag $0x2  }
0x38: {  	s0 =	rddreg [dreg:$0x0];
	s2 =	stileid.u32  }
0x39: {  	s1 =	rddreg [dreg:$0x1];
	p0 =	sne.s32 s2, $0x0  }
0x3a: {  	s3 =	rddreg [dreg:$0x2];
	[bflag:$0x3] =	sbarrier.arrive $0xFFFF;
	s2 =	simm.s32 @!p0 $0x1C02  }
0x3b: {  	[timem:s3], [sflag:s2] =	dma.local @!p0 [hbm:s0], s1  }
0x3c: {  	s0 =	simm.s32 @!p0 $0x2  }
0x3d: {  	_ =	swait.ge @!p0 [sflag:s0], s1  }
0x3e: {  	s1 =	ssub.s32 @!p0 $0x0, s1;
	[sflag:s0] =	ssyncset.done @!p0 $0x0  }
0x3f: {  	[sflag:s0] =	ssyncadd.s32 @!p0 s1  }
0x40: {  	[bflag:$0x3] =	sbarrier.arrive $0xFFFF  }
0x41: {  	_ =	shalt  }

// kernel: kernel.15.cloned.1.call-start
scs
__scs_entry_jumppad:
0x0: {  	(pc) =	sbr.rel $0x88, $3  }
0x1: {  	(tag) =	ssettag $0x0;
	lr =	simm.s32 $0x1  }
0x2: {  	[smem:$0x3F95] =	sst lr;
	_ =	strace $0xD0000000  }
0x3: {  	_ = 	snop  }
0x4: {  	_ = 	snop  }
0x5: {  	_ = 	snop  }
0x6: {  	_ = 	snop  }
0x7: {  	_ = 	snop  }
__scs_overlays_trampoline_lowered:
0x8: {  	[smem:$0x3FA4] =	sst s0  }
0x9: {  	[smem:$0x3FA5] =	sst s1  }
0xa: {  	[smem:$0x3FA6] =	sst s2  }
0xb: {  	[smem:$0x3FA7] =	sst s3  }
0xc: {  	[smem:$0x3FA8] =	sst s4  }
0xd: {  	[smem:$0x3FA9] =	sst s5  }
0xe: {  	[smem:$0x3FAA] =	sst s6  }
0xf: {  	[smem:$0x3FAB] =	sst s7  }
0x10: {  	[smem:$0x3FAC] =	sst s8  }
0x11: {  	[smem:$0x3FAD] =	sst s9;
	s0 =	simm.s32 @!p0 $0x0  }
0x12: {  	s1 =	sld [smem:$0x3F93];
	s0 =	simm.s32 @p0 $0x1  }
0x13: {  	[smem:$0x3FAE] =	sst s0;
	s0 =	simm.s32 @!p1 $0x0  }
0x14: {  	s2 =	sld [smem:$0x3F92];
	s0 =	simm.s32 @p1 $0x1  }
0x15: {  	[smem:$0x3FAF] =	sst s0;
	s0 =	simm.s32 @!p2 $0x0  }
0x16: {  	s3 =	sld [smem:$0x3FDB];
	s0 =	simm.s32 @p2 $0x1  }
0x17: {  	s4 =	simm.s32 $0x1BF5;
	[smem:$0x3FB1] =	sst s0  }
0x18: {  	s0 =	sld [smem:$0x3F94];
	_ =	swait.ge [sflag:s4], $0x0  }
0x19: {  	s7 =	sld [smem:$0x3F95]  }
0x1a: {  	s8 =	sadd.s32 $0xFFFFE003, lr  }
0x1b: {  	s9 =	sadd.s32 $0xFFFFFEF7, lr;
	s5 =	simm.s32 $0xFFFFFFFF;
	p2 =	slt.u32 s8, $0xFFFFF086  }
0x1c: {  	p1 =	slt.u32 s9, $0xF7A;
	s5 =	simm.s32 @!p2 $0x0  }
0x1d: {  	s5 =	simm.s32 @p1 $0x1;
	p0 =	seq.s32 s7, s2  }
0x1e: {  	s7 =	smul.u32 @!p0 $0xF7A, s2;
	p2 =	seq.s32 @!p0 s5, $0x0  }
0x1f: {  	s9 =	smul.u32 $0xF7A, s1;
	s8 =	simm.s32 @!p0 $0x1BF5;
	p2 =	por !p2, p0  }
0x20: {  	[sflag:s8] =	ssyncset.s32 @!p0 $0xFFFFF086;
	s6 =	sadd.s32 @!p0 s3, s7;
	s7 =	simm.s32 @!p0 $0x108  }
0x21: {  	s3 =	sadd.s32 s3, s9;
	s6 =	sadd.s32 @!p0 $0x88, s6;
	s7 =	simm.s32 @p2 $0x1082  }
0x22: {  	[simem:s7], [sflag:s8] =	dma.local @!p0 [hbm:s6], $0xF7A  }
0x23: {  	s9 =	sor.u32 $0xD0000000, s2;
	s6 =	simm.s32 $0x108;
	_ =	swait.ge @!p0 [sflag:s8], $0x0  }
0x24: {  	s3 =	sadd.s32 $0x88, s3;
	s6 =	simm.s32 @!p1 $0x1082;
	[sflag:s4] =	ssyncset.s32 $0xFFFFF086  }
0x25: {  	[simem:s6], [sflag:s4] =	dma.local [hbm:s3], $0xF7A  }
0x26: {  	[smem:$0x3F95] =	sst s1;
	(tag) =	ssettag s2;
	_ =	strace s9  }
0x27: {  	s1 =	sld [smem:$0x3FA5]  }
0x28: {  	s2 =	sld [smem:$0x3FA6]  }
0x29: {  	s4 =	sld [smem:$0x3FA8]  }
0x2a: {  	p0 =	seq.s32 s5, $0x0;
	s5 =	sld [smem:$0x3FA9]  }
0x2b: {  	s6 =	sld [smem:$0x3FAA]  }
0x2c: {  	s7 =	sld [smem:$0x3FAB]  }
0x2d: {  	s3 =	simm.s32 $0x108;
	s8 =	sld [smem:$0x3FAC]  }
0x2e: {  	s3 =	simm.s32 @!p0 $0x1082;
	s9 =	sld [smem:$0x3FAD]  }
0x2f: {  	lr =	sadd.s32 s0, s3;
	s0 =	sld [smem:$0x3FA4]  }
0x30: {  	s3 =	sld [smem:$0x3FA7]  }
0x31: {  	[smem:$0x3FB0] =	sst s10  }
0x32: {  	s10 =	sld [smem:$0x3FAE];
	_ =	sdelay $0x3  }
0x33: {  	p0 =	seq.s32 s10, $0x1;
	s10 =	sld [smem:$0x3FB0];
	_ =	sdelay $0x3  }
0x34: {  	[smem:$0x3FB0] =	sst s10  }
0x35: {  	s10 =	sld [smem:$0x3FAF];
	_ =	sdelay $0x3  }
0x36: {  	p1 =	seq.s32 s10, $0x1;
	s10 =	sld [smem:$0x3FB0];
	_ =	sdelay $0x3  }
0x37: {  	[smem:$0x3FB0] =	sst s10  }
0x38: {  	s10 =	sld [smem:$0x3FB1]  }
0x39: {  	_ = 	snop;
	(pc) =	sbr.ind lr, $3  }
0x3a: {  	_ = 	snop  }
0x3b: {  	_ = 	snop  }
0x3c: {  	p2 =	seq.s32 s10, $0x1;
	s10 =	sld [smem:$0x3FB0]  }
0x3d: {  	_ =	shalt  }
0x3e: {  	_ =	shalt  }
0x3f: {  	_ =	shalt  }
0x40: {  	_ =	shalt  }
0x41: {  	_ =	shalt  }
0x42: {  	_ =	shalt  }
0x43: {  	_ =	shalt  }
0x44: {  	_ =	shalt  }
0x45: {  	_ =	shalt  }
0x46: {  	_ =	shalt  }
0x47: {  	_ =	shalt  }
0x48: {  	_ =	shalt  }
0x49: {  	_ =	shalt  }
0x4a: {  	_ =	shalt  }
0x4b: {  	_ =	shalt  }
0x4c: {  	_ =	shalt  }
0x4d: {  	_ =	shalt  }
0x4e: {  	_ =	shalt  }
0x4f: {  	_ =	shalt  }
0x50: {  	_ =	shalt  }
0x51: {  	_ =	shalt  }
0x52: {  	_ =	shalt  }
0x53: {  	_ =	shalt  }
0x54: {  	_ =	shalt  }
0x55: {  	_ =	shalt  }
0x56: {  	_ =	shalt  }
0x57: {  	_ =	shalt  }
0x58: {  	_ =	shalt  }
0x59: {  	_ =	shalt  }
0x5a: {  	_ =	shalt  }
0x5b: {  	_ =	shalt  }
0x5c: {  	_ =	shalt  }
0x5d: {  	_ =	shalt  }
0x5e: {  	_ =	shalt  }
0x5f: {  	_ =	shalt  }
0x60: {  	_ =	shalt  }
0x61: {  	_ =	shalt  }
0x62: {  	_ =	shalt  }
0x63: {  	_ =	shalt  }
0x64: {  	_ =	shalt  }
0x65: {  	_ =	shalt  }
0x66: {  	_ =	shalt  }
0x67: {  	_ =	shalt  }
0x68: {  	_ =	shalt  }
0x69: {  	_ =	shalt  }
0x6a: {  	_ =	shalt  }
0x6b: {  	_ =	shalt  }
0x6c: {  	_ =	shalt  }
0x6d: {  	_ =	shalt  }
0x6e: {  	_ =	shalt  }
0x6f: {  	_ =	shalt  }
0x70: {  	_ =	shalt  }
0x71: {  	_ =	shalt  }
0x72: {  	_ =	shalt  }
0x73: {  	_ =	shalt  }
0x74: {  	_ =	shalt  }
0x75: {  	_ =	shalt  }
0x76: {  	_ =	shalt  }
0x77: {  	_ =	shalt  }
0x78: {  	_ =	shalt  }
0x79: {  	_ =	shalt  }
0x7a: {  	_ =	shalt  }
0x7b: {  	_ =	shalt  }
0x7c: {  	_ =	shalt  }
0x7d: {  	_ =	shalt  }
0x7e: {  	_ =	shalt  }
0x7f: {  	_ =	shalt  }
0x80: {  	_ =	shalt  }
0x81: {  	_ =	shalt  }
0x82: {  	_ =	shalt  }
0x83: {  	_ =	shalt  }
0x84: {  	_ =	shalt  }
0x85: {  	_ =	shalt  }
0x86: {  	_ =	shalt  }
0x87: {  	_ =	shalt  }
.Lfunc_end0:
.L_simem_size_0:
called_computation.1_lowered:
.L_overlay_start_0:
0x88: {  	s2 =	sld [smem:$0x3FD9]  }
0x89: {  	s3 =	sld [smem:$0x3FFE];
	_ =	sdelay $0x1  }
0x8a: {  	s1 =	srdreg.scid  }
0x8b: {  	s0 =	sand.u32 $0x1, s1  }
0x8c: {  	s17 =	sshll.u32 s0, $0xA;
	s2 =	sadd.s32 s3, s2  }
0x8d: {  	s2 =	sadd.s32 s2, s17  }
0x8e: {  	[smem:$0x3FBC] =	sst s2  }
0x8f: {  	_ = 	snop  }
0x90: {  	(tm) =	ssettm $0x1  }
0x91: {  	s18 =	sld [smem:$0x3FFB];
	_ =	sdelay $0x3  }
0x92: {  	_ =	strace s18  }
0x93: {  	s2 =	sld [smem:$0x3FFC];
	_ =	sdelay $0x3  }
0x94: {  	_ =	strace s2  }
0x95: {  	s2 =	sld [smem:$0x3FFD];
	_ =	sdelay $0x3  }
0x96: {  	_ =	strace s2  }
0x97: {  	_ =	strace $0x8FFFFFFF  }
0x98: {  	s19 =	sld [smem:$0x3FDB];
	_ =	sdelay $0x1  }
0x99: {  	s20 =	simm.s32 $_scs_section_size  }
0x9a: {  	s4 =	simm.s32 $_size__tile_overlayer_lowered;
	s5 =	simm.s32 $_tile_overlayer_lowered  }
0x9b: {  	s6 =	simm.s32 $0x1BFF;
	s21 =	sshll.u32 s5, $0x1;
	s3 =	sadd.s32 s20, s19  }
0x9c: {  	s22 =	simm.s32 $0x0;
	s4 =	sshll.u32 s4, $0x1;
	s5 =	sadd.s32 s21, s3  }
0x9d: {  	[timem:s22], [sflag:s6] =	dma.local [hbm:s5], s4  }
0x9e: {  	_ =	swait.ge [sflag:s6], s4  }
0x9f: {  	s4 =	ssub.s32 $0x0, s4;
	[sflag:s6] =	ssyncset.done $0x0  }
0xa0: {  	[sflag:s6] =	ssyncadd.s32 s4;
	_ =	sdelay $0x1  }
0xa1: {  	s23 =	simm.s32 $0x1B8B  }
0xa2: {  	_ =	swait.ge [sflag:s23], $0x1  }
0xa3: {  	[sflag:s23] =	ssyncset.done $0x0  }
0xa4: {  	[sflag:s23] =	ssyncadd.s32 $0xFFFFFFFF  }
0xa5: {  	s4 =	sld [smem:$0x0]  }
0xa6: {  	s5 =	sand.u32 $0xFFFFFFFE, s1  }
0xa7: {  	p0 =	sne.s32 s1, s5  }
0xa8: {  	s5 =	sshll.u32 @p0 s5, $0xE  }
0xa9: {  	s5 =	sadd.s32 @p0 $0x11B8D, s5;
	s6 =	sshll.u32 @p0 s4, $0x11  }
0xaa: {  	s5 =	sor.u32 @p0 s6, s5  }
0xab: {  	[sflag:s5] =	ssyncadd.remote.s32 @p0 $0x1;
	_ =	sdelay $0x1  }
0xac: {  	s5 =	simm.s32 @p0 $0x1B8D  }
0xad: {  	_ =	swait.eq @p0 [sflag:s5], $0x1  }
0xae: {  	[sflag:s5] =	ssyncadd.s32 @p0 $0xFFFFFFFF  }
0xaf: {  	s6 =	sshll.u32 @!p0 s1, $0xE  }
0xb0: {  	s6 =	sor.u32 @!p0 $0x4000, s6;
	s5 =	simm.s32 @!p0 $0x1B8D  }
0xb1: {  	s4 =	sshll.u32 @!p0 s4, $0x11;
	s6 =	sadd.s32 @!p0 $0x11B8D, s6;
	_ =	swait.eq @!p0 [sflag:s5], $0x1  }
0xb2: {  	s4 =	sor.u32 @!p0 s4, s6;
	[sflag:s5] =	ssyncadd.s32 @!p0 $0xFFFFFFFF  }
0xb3: {  	s25 =	simm.s32 $0x1B8E;
	s24 =	sld [smem:$0x3FFE];
	[sflag:s4] =	ssyncadd.remote.s32 @!p0 $0x1  }
0xb4: {  	s26 =	simm.s32 $execute0_lowered;
	[smem:$0x3FD2] =	sst s25  }
0xb5: {  	s5 =	sshll.u32 s26, $0x1;
	_ =	strace $0x80000049;
	[dreg:$0x1] =	wrdreg $0xFFFFFFFF  }
0xb6: {  	s28 =	simm.s32 $_size_execute0_lowered;
	s3 =	sadd.s32 s3, s5;
	[dreg:$0x0] =	wrdreg $0x0  }
0xb7: {  	s5 =	sshll.u32 s28, $0x1;
	[dreg:$0x2] =	wrdreg s3  }
0xb8: {  	[dreg:$0x3] =	wrdreg s5  }
0xb9: {  	[dreg:$0x4] =	wrdreg $0xC0  }
0xba: {  	_ =	task [dreg:s22], $0x5FFFF  }
0xbb: {  	[dreg:$0x1] =	wrdreg $0xFFFFFFFF  }
0xbc: {  	[dreg:$0x0] =	wrdreg $0x60  }
0xbd: {  	[dreg:$0x2] =	wrdreg s24  }
0xbe: {  	[dreg:$0x3] =	wrdreg $0xA  }
0xbf: {  	_ =	task.clear_ibuf [dreg:s22], $0x4FFFF;
	_ =	strace $0x90000049  }
0xc0: {  	s29 =	simm.s32 $0xA;
	_ =	strace $0x8000004B  }
0xc1: {  	_ =	swait.ge [sflag:s29], $0x1  }
0xc2: {  	[sflag:s29] =	ssyncadd.s32 $0xFFFFFFFF  }
0xc3: {  	_ =	strace $0x9000004B  }
0xc4: {  	_ =	sfence  }
0xc5: {  	s30 =	sld [smem:$0x0];
	_ =	sdelay $0x2  }
0xc6: {  	s31 =	sshll.u32 s1, $0xD;
	s1 =	sshrl.u32 s1, $0x2  }
0xc7: {  	s4 =	sand.u32 $0x4000, s31;
	s1 =	sadd.s32 s1, s30  }
0xc8: {  	s0 =	sor.u32 s4, s0;
	s1 =	sshll.u32 s1, $0x11  }
0xc9: {  	s0 =	sor.u32 s1, s0  }
0xca: {  	s0 =	sadd.s32 $0x8F2B, s0  }
0xcb: {  	[sflag:s0] =	ssyncadd.remote.s32 $0x1  }
0xcc: {  	_ =	sfence.sel $0xFFFF  }
0xcd: {  	[dreg:$0x0] =	wrdreg $0xFFFFFFFF;
	(pc) =	sbr.abs _section_cstart, $3  }
0xce: {  	[dreg:$0x1] =	wrdreg $0xFFFFFFFF  }
0xcf: {  	_ =	task.clear_ibuf [dreg:s22], $0x2FFFF;
	_ =	strace $0x9FFFFFFF  }
0xd0: {  	(tm) =	ssettm $0x7FFFFFFF  }
0xd1: {  	_ =	shalt  }
tec
execute0_lowered:
.L_overlay_start_1:
0x0: {  	(tag) =	ssettag $0x1  }
0x1: {  	s4 =	rddreg [dreg:$0x0]  }
0x2: {  	s0 =	rddreg [dreg:$0x1]  }
0x3: {  	s3 =	srdreg.scid;
	s1 =	stileid.u32;
	s2 =	simm.s32 $0x0  }
0x4: {  	s10 =	simm.s32 $0x1;
	s11 =	simm.s32 $0x0;
	s6 =	smul.u32 $0x4E20, s1  }
0x5: {  	s5 =	sand.u32 $0x1, s3;
	[smem:$0x7FF] =	sst s2;
	s8 =	smul.u32 $0x4E200, s1  }
0x6: {  	s3 =	sadd.s32 $0x630A00, s4;
	s7 =	smul.u32 $0x2710, s5;
	s9 =	ssub.s32 $0x2, s5  }
0x7: {  	_ =	strace $0x8000004A;
	s5 =	smul.u32 $0x27100, s5;
	s31 =	sshrl.u32 s9, $0x1  }
0x8: {  	s30 =	sadd.s32 s8, s4;
	s6 =	sadd.s32 s7, s6;
	s8 =	ssub.s32 s9, s31  }
0x9: {  	s5 =	sadd.s32 s5, s30;
	s7 =	simm.s32 $0x2;
	s6 =	sshrl.u32 s6, $0x3  }
0xa: {  	s9 =	simm.s32 $0x80;
	s5 =	sadd.s32 $0x769200, s5;
	s6 =	sadd.s32 s6, s4  }
0xb: {  	s4 =	smax.u32 s8, $0x1;
	s8 =	simm.s32 $0x50;
	s6 =	sadd.s32 $0xC400, s6  }
.LBB2_1:
0xc: {  	s12 =	sadd.s32 $0x0, s6  }
0xd: {  	[tilespmem:s2], [sflag:$0x2] =	stream.linear.gather [hbm4b:s12+s2], $0x50, $0x38;
	[tilespmem:$0x2880] =	vst v63  }
0xe: {  	_ =	swait.ge [sflag:s7], $0x50  }
0xf: {  	[sflag:s7] =	ssyncset.done $0x0  }
0x10: {  	[sflag:s7] =	ssyncadd.s32 $0xFFFFFFB0  }
0x11: {  	[tilespmem:s9], [sflag:$0x1] =	stream.indirect.gather [hbm4b:s3+s8], $0x80, s2, s8, $0xb8;
	[tilespmem:$0x2880] =	vst v63  }
0x12: {  	_ =	swait.ge [sflag:s10], $0x2800  }
0x13: {  	[sflag:s10] =	ssyncset.done $0x0  }
0x14: {  	[sflag:s10] =	ssyncadd.s32 $0xFFFFD800  }
0x15: {  	[hbm4b:s5+s2] =	stream.linear.scatter [tilespmem:s9], [sflag:$0x2], $0x2800, $0x38;
	[tilespmem:$0x2880] =	vst v63  }
0x16: {  	s13 =	simm.s32 $0xA;
	_ =	swait.ge [sflag:s7], $0x2800  }
0x17: {  	s14 =	simm.s32 $0x14;
	s12 =	sadd.s32 $0x500, s5;
	[sflag:s7] =	ssyncset.done $0x0  }
.LBB2_2:
0x18: {  	s15 =	sadd.s32 s13, s6  }
0x19: {  	[sflag:s7] =	ssyncadd.s32 $0xFFFFD800;
	s13 =	smov.u32 s14;
	s16 =	sadd.s32 $0xA, s14  }
0x1a: {  	[tilespmem:s2], [sflag:$0x2] =	stream.linear.gather [hbm4b:s15+s2], $0x50, $0x38;
	[tilespmem:$0x2880] =	vst v63  }
0x1b: {  	p0 =	sne.s32 s14, $0x4D8;
	_ =	swait.ge [sflag:s7], $0x50  }
0x1c: {  	[sflag:s7] =	ssyncset.done $0x0  }
0x1d: {  	[sflag:s7] =	ssyncadd.s32 $0xFFFFFFB0  }
0x1e: {  	[tilespmem:s9], [sflag:$0x1] =	stream.indirect.gather [hbm4b:s3+s8], $0x80, s2, s8, $0xb8;
	[tilespmem:$0x2880] =	vst v63  }
0x1f: {  	_ =	swait.ge [sflag:s10], $0x2800  }
.Ltmp0:
0x20: {  	[sflag:s10] =	ssyncset.done $0x0;
	(pc) =	sbr.rel @p0 .LBB2_2-.Ltmp0, $4  }
0x21: {  	[sflag:s10] =	ssyncadd.s32 $0xFFFFD800  }
0x22: {  	[hbm4b:s12+s2] =	stream.linear.scatter [tilespmem:s9], [sflag:$0x2], $0x2800, $0x38;
	[tilespmem:$0x2880] =	vst v63  }
0x23: {  	_ =	swait.ge [sflag:s7], $0x2800  }
0x24: {  	s14 =	smov.u32 s16;
	s12 =	sadd.s32 $0x500, s12;
	[sflag:s7] =	ssyncset.done $0x0  }
0x25: {  	s13 =	sadd.s32 s13, s6;
	[sflag:s7] =	ssyncadd.s32 $0xFFFFD800  }
0x26: {  	[tilespmem:s2], [sflag:$0x2] =	stream.linear.gather [hbm4b:s13+s2], $0x50, $0x38;
	[tilespmem:$0x2880] =	vst v63  }
0x27: {  	_ =	swait.ge [sflag:s7], $0x50  }
0x28: {  	[sflag:s7] =	ssyncset.done $0x0  }
0x29: {  	[sflag:s7] =	ssyncadd.s32 $0xFFFFFFB0  }
0x2a: {  	[tilespmem:s9], [sflag:$0x1] =	stream.indirect.gather [hbm4b:s3+s8], $0x80, s2, s8, $0xb8;
	[tilespmem:$0x2880] =	vst v63  }
0x2b: {  	s11 =	sadd.s32 $0x1, s11;
	_ =	swait.ge [sflag:s10], $0x2800  }
0x2c: {  	p0 =	sne.s32 s11, s4;
	[sflag:s10] =	ssyncset.done $0x0  }
.Ltmp1:
0x2d: {  	[sflag:s10] =	ssyncadd.s32 $0xFFFFD800;
	(pc) =	sbr.rel @p0 .LBB2_1-.Ltmp1, $4  }
0x2e: {  	[hbm4b:s12+s2] =	stream.linear.scatter [tilespmem:s9], [sflag:$0x2], $0x2800, $0x38;
	[tilespmem:$0x2880] =	vst v63  }
0x2f: {  	_ =	swait.ge [sflag:s7], $0x2800  }
0x30: {  	[sflag:s7] =	ssyncset.done $0x0  }
0x31: {  	[sflag:s7] =	ssyncadd.s32 $0xFFFFD800  }
0x32: {  	_ =	sfence.sel $0x180000  }
0x33: {  	[bflag:$0x0] =	sbarrier.arrive $0xFFFF  }
0x34: {  	p0 =	sne.s32 s1, $0x0;
	_ =	strace $0x9000004A  }
0x35: {  	s0 =	sadd.s32 @!p0 $0x100000, s0;
	[bflag:$0x2] =	sbarrier.arrive $0xFFFF  }
0x36: {  	[sflag:s0] =	ssyncadd.tile.s32 @!p0 $0x1;
	_ =	shalt  }
.Lfunc_end2:
_tile_overlayer_lowered:
.L_overlay_start_2:
0x37: {  	(tag) =	ssettag $0x2  }
0x38: {  	s0 =	rddreg [dreg:$0x0];
	s2 =	stileid.u32  }
0x39: {  	s1 =	rddreg [dreg:$0x1];
	p0 =	sne.s32 s2, $0x0  }
0x3a: {  	s3 =	rddreg [dreg:$0x2];
	[bflag:$0x3] =	sbarrier.arrive $0xFFFF;
	s2 =	simm.s32 @!p0 $0x1C02  }
0x3b: {  	[timem:s3], [sflag:s2] =	dma.local @!p0 [hbm:s0], s1  }
0x3c: {  	s0 =	simm.s32 @!p0 $0x2  }
0x3d: {  	_ =	swait.ge @!p0 [sflag:s0], s1  }
0x3e: {  	s1 =	ssub.s32 @!p0 $0x0, s1;
	[sflag:s0] =	ssyncset.done @!p0 $0x0  }
0x3f: {  	[sflag:s0] =	ssyncadd.s32 @!p0 s1  }
0x40: {  	[bflag:$0x3] =	sbarrier.arrive $0xFFFF  }
0x41: {  	_ =	shalt  }

// kernel: kernel.18.cloned.1.call-start
scs
__scs_entry_jumppad:
0x0: {  	(pc) =	sbr.rel $0x88, $3  }
0x1: {  	(tag) =	ssettag $0x0;
	lr =	simm.s32 $0x1  }
0x2: {  	[smem:$0x3F95] =	sst lr;
	_ =	strace $0xD0000000  }
0x3: {  	_ = 	snop  }
0x4: {  	_ = 	snop  }
0x5: {  	_ = 	snop  }
0x6: {  	_ = 	snop  }
0x7: {  	_ = 	snop  }
__scs_overlays_trampoline_lowered:
0x8: {  	[smem:$0x3FA4] =	sst s0  }
0x9: {  	[smem:$0x3FA5] =	sst s1  }
0xa: {  	[smem:$0x3FA6] =	sst s2  }
0xb: {  	[smem:$0x3FA7] =	sst s3  }
0xc: {  	[smem:$0x3FA8] =	sst s4  }
0xd: {  	[smem:$0x3FA9] =	sst s5  }
0xe: {  	[smem:$0x3FAA] =	sst s6  }
0xf: {  	[smem:$0x3FAB] =	sst s7  }
0x10: {  	[smem:$0x3FAC] =	sst s8  }
0x11: {  	[smem:$0x3FAD] =	sst s9;
	s0 =	simm.s32 @!p0 $0x0  }
0x12: {  	s1 =	sld [smem:$0x3F93];
	s0 =	simm.s32 @p0 $0x1  }
0x13: {  	[smem:$0x3FAE] =	sst s0;
	s0 =	simm.s32 @!p1 $0x0  }
0x14: {  	s2 =	sld [smem:$0x3F92];
	s0 =	simm.s32 @p1 $0x1  }
0x15: {  	[smem:$0x3FAF] =	sst s0;
	s0 =	simm.s32 @!p2 $0x0  }
0x16: {  	s3 =	sld [smem:$0x3FDB];
	s0 =	simm.s32 @p2 $0x1  }
0x17: {  	s4 =	simm.s32 $0x1BF5;
	[smem:$0x3FB1] =	sst s0  }
0x18: {  	s0 =	sld [smem:$0x3F94];
	_ =	swait.ge [sflag:s4], $0x0  }
0x19: {  	s7 =	sld [smem:$0x3F95]  }
0x1a: {  	s8 =	sadd.s32 $0xFFFFE003, lr  }
0x1b: {  	s9 =	sadd.s32 $0xFFFFFEF7, lr;
	s5 =	simm.s32 $0xFFFFFFFF;
	p2 =	slt.u32 s8, $0xFFFFF086  }
0x1c: {  	p1 =	slt.u32 s9, $0xF7A;
	s5 =	simm.s32 @!p2 $0x0  }
0x1d: {  	s5 =	simm.s32 @p1 $0x1;
	p0 =	seq.s32 s7, s2  }
0x1e: {  	s7 =	smul.u32 @!p0 $0xF7A, s2;
	p2 =	seq.s32 @!p0 s5, $0x0  }
0x1f: {  	s9 =	smul.u32 $0xF7A, s1;
	s8 =	simm.s32 @!p0 $0x1BF5;
	p2 =	por !p2, p0  }
0x20: {  	[sflag:s8] =	ssyncset.s32 @!p0 $0xFFFFF086;
	s6 =	sadd.s32 @!p0 s3, s7;
	s7 =	simm.s32 @!p0 $0x108  }
0x21: {  	s3 =	sadd.s32 s3, s9;
	s6 =	sadd.s32 @!p0 $0x88, s6;
	s7 =	simm.s32 @p2 $0x1082  }
0x22: {  	[simem:s7], [sflag:s8] =	dma.local @!p0 [hbm:s6], $0xF7A  }
0x23: {  	s9 =	sor.u32 $0xD0000000, s2;
	s6 =	simm.s32 $0x108;
	_ =	swait.ge @!p0 [sflag:s8], $0x0  }
0x24: {  	s3 =	sadd.s32 $0x88, s3;
	s6 =	simm.s32 @!p1 $0x1082;
	[sflag:s4] =	ssyncset.s32 $0xFFFFF086  }
0x25: {  	[simem:s6], [sflag:s4] =	dma.local [hbm:s3], $0xF7A  }
0x26: {  	[smem:$0x3F95] =	sst s1;
	(tag) =	ssettag s2;
	_ =	strace s9  }
0x27: {  	s1 =	sld [smem:$0x3FA5]  }
0x28: {  	s2 =	sld [smem:$0x3FA6]  }
0x29: {  	s4 =	sld [smem:$0x3FA8]  }
0x2a: {  	p0 =	seq.s32 s5, $0x0;
	s5 =	sld [smem:$0x3FA9]  }
0x2b: {  	s6 =	sld [smem:$0x3FAA]  }
0x2c: {  	s7 =	sld [smem:$0x3FAB]  }
0x2d: {  	s3 =	simm.s32 $0x108;
	s8 =	sld [smem:$0x3FAC]  }
0x2e: {  	s3 =	simm.s32 @!p0 $0x1082;
	s9 =	sld [smem:$0x3FAD]  }
0x2f: {  	lr =	sadd.s32 s0, s3;
	s0 =	sld [smem:$0x3FA4]  }
0x30: {  	s3 =	sld [smem:$0x3FA7]  }
0x31: {  	[smem:$0x3FB0] =	sst s10  }
0x32: {  	s10 =	sld [smem:$0x3FAE];
	_ =	sdelay $0x3  }
0x33: {  	p0 =	seq.s32 s10, $0x1;
	s10 =	sld [smem:$0x3FB0];
	_ =	sdelay $0x3  }
0x34: {  	[smem:$0x3FB0] =	sst s10  }
0x35: {  	s10 =	sld [smem:$0x3FAF];
	_ =	sdelay $0x3  }
0x36: {  	p1 =	seq.s32 s10, $0x1;
	s10 =	sld [smem:$0x3FB0];
	_ =	sdelay $0x3  }
0x37: {  	[smem:$0x3FB0] =	sst s10  }
0x38: {  	s10 =	sld [smem:$0x3FB1]  }
0x39: {  	_ = 	snop;
	(pc) =	sbr.ind lr, $3  }
0x3a: {  	_ = 	snop  }
0x3b: {  	_ = 	snop  }
0x3c: {  	p2 =	seq.s32 s10, $0x1;
	s10 =	sld [smem:$0x3FB0]  }
0x3d: {  	_ =	shalt  }
0x3e: {  	_ =	shalt  }
0x3f: {  	_ =	shalt  }
0x40: {  	_ =	shalt  }
0x41: {  	_ =	shalt  }
0x42: {  	_ =	shalt  }
0x43: {  	_ =	shalt  }
0x44: {  	_ =	shalt  }
0x45: {  	_ =	shalt  }
0x46: {  	_ =	shalt  }
0x47: {  	_ =	shalt  }
0x48: {  	_ =	shalt  }
0x49: {  	_ =	shalt  }
0x4a: {  	_ =	shalt  }
0x4b: {  	_ =	shalt  }
0x4c: {  	_ =	shalt  }
0x4d: {  	_ =	shalt  }
0x4e: {  	_ =	shalt  }
0x4f: {  	_ =	shalt  }
0x50: {  	_ =	shalt  }
0x51: {  	_ =	shalt  }
0x52: {  	_ =	shalt  }
0x53: {  	_ =	shalt  }
0x54: {  	_ =	shalt  }
0x55: {  	_ =	shalt  }
0x56: {  	_ =	shalt  }
0x57: {  	_ =	shalt  }
0x58: {  	_ =	shalt  }
0x59: {  	_ =	shalt  }
0x5a: {  	_ =	shalt  }
0x5b: {  	_ =	shalt  }
0x5c: {  	_ =	shalt  }
0x5d: {  	_ =	shalt  }
0x5e: {  	_ =	shalt  }
0x5f: {  	_ =	shalt  }
0x60: {  	_ =	shalt  }
0x61: {  	_ =	shalt  }
0x62: {  	_ =	shalt  }
0x63: {  	_ =	shalt  }
0x64: {  	_ =	shalt  }
0x65: {  	_ =	shalt  }
0x66: {  	_ =	shalt  }
0x67: {  	_ =	shalt  }
0x68: {  	_ =	shalt  }
0x69: {  	_ =	shalt  }
0x6a: {  	_ =	shalt  }
0x6b: {  	_ =	shalt  }
0x6c: {  	_ =	shalt  }
0x6d: {  	_ =	shalt  }
0x6e: {  	_ =	shalt  }
0x6f: {  	_ =	shalt  }
0x70: {  	_ =	shalt  }
0x71: {  	_ =	shalt  }
0x72: {  	_ =	shalt  }
0x73: {  	_ =	shalt  }
0x74: {  	_ =	shalt  }
0x75: {  	_ =	shalt  }
0x76: {  	_ =	shalt  }
0x77: {  	_ =	shalt  }
0x78: {  	_ =	shalt  }
0x79: {  	_ =	shalt  }
0x7a: {  	_ =	shalt  }
0x7b: {  	_ =	shalt  }
0x7c: {  	_ =	shalt  }
0x7d: {  	_ =	shalt  }
0x7e: {  	_ =	shalt  }
0x7f: {  	_ =	shalt  }
0x80: {  	_ =	shalt  }
0x81: {  	_ =	shalt  }
0x82: {  	_ =	shalt  }
0x83: {  	_ =	shalt  }
0x84: {  	_ =	shalt  }
0x85: {  	_ =	shalt  }
0x86: {  	_ =	shalt  }
0x87: {  	_ =	shalt  }
.Lfunc_end0:
.L_simem_size_0:
called_computation.2_lowered:
.L_overlay_start_0:
0x88: {  	s2 =	sld [smem:$0x3FD9]  }
0x89: {  	s3 =	sld [smem:$0x3FFE];
	_ =	sdelay $0x1  }
0x8a: {  	s1 =	srdreg.scid  }
0x8b: {  	s0 =	sand.u32 $0x1, s1  }
0x8c: {  	s16 =	sshll.u32 s0, $0xA;
	s2 =	sadd.s32 s3, s2  }
0x8d: {  	s2 =	sadd.s32 s2, s16  }
0x8e: {  	[smem:$0x3FBC] =	sst s2  }
0x8f: {  	_ = 	snop  }
0x90: {  	(tm) =	ssettm $0x1  }
0x91: {  	s17 =	sld [smem:$0x3FFB];
	_ =	sdelay $0x3  }
0x92: {  	_ =	strace s17  }
0x93: {  	s2 =	sld [smem:$0x3FFC];
	_ =	sdelay $0x3  }
0x94: {  	_ =	strace s2  }
0x95: {  	s2 =	sld [smem:$0x3FFD];
	_ =	sdelay $0x3  }
0x96: {  	_ =	strace s2  }
0x97: {  	_ =	strace $0x8FFFFFFF  }
0x98: {  	s18 =	sld [smem:$0x3FDB];
	_ =	sdelay $0x1  }
0x99: {  	s19 =	simm.s32 $_scs_section_size  }
0x9a: {  	s4 =	simm.s32 $_size__tile_overlayer_lowered;
	s5 =	simm.s32 $_tile_overlayer_lowered  }
0x9b: {  	s22 =	simm.s32 $0x1BFF;
	s21 =	sshll.u32 s5, $0x1;
	s2 =	sadd.s32 s19, s18  }
0x9c: {  	s6 =	simm.s32 $0x0;
	s20 =	sshll.u32 s4, $0x1;
	s4 =	sadd.s32 s21, s2  }
0x9d: {  	[timem:s6], [sflag:s22] =	dma.local [hbm:s4], s20  }
0x9e: {  	_ =	swait.ge [sflag:s22], s20  }
0x9f: {  	s3 =	ssub.s32 $0x0, s20;
	[sflag:s22] =	ssyncset.done $0x0  }
0xa0: {  	[sflag:s22] =	ssyncadd.s32 s3;
	_ =	sdelay $0x1  }
0xa1: {  	s23 =	simm.s32 $0x1B8B  }
0xa2: {  	_ =	swait.ge [sflag:s23], $0x1  }
0xa3: {  	[sflag:s23] =	ssyncset.done $0x0  }
0xa4: {  	s25 =	simm.s32 $0x1B8E;
	s24 =	sld [smem:$0x3FFE];
	[sflag:s23] =	ssyncadd.s32 $0xFFFFFFFF  }
0xa5: {  	s26 =	simm.s32 $execute0_lowered;
	[smem:$0x3FD2] =	sst s25  }
0xa6: {  	s4 =	sshll.u32 s26, $0x1;
	_ =	strace $0x8000004C;
	[dreg:$0x1] =	wrdreg $0xFFFFFFFF  }
0xa7: {  	s28 =	simm.s32 $_size_execute0_lowered;
	s2 =	sadd.s32 s2, s4;
	[dreg:$0x0] =	wrdreg $0x0  }
0xa8: {  	s4 =	sshll.u32 s28, $0x1;
	[dreg:$0x2] =	wrdreg s2  }
0xa9: {  	[dreg:$0x3] =	wrdreg s4  }
0xaa: {  	[dreg:$0x4] =	wrdreg $0xC0  }
0xab: {  	_ =	task [dreg:s6], $0x5FFFF  }
0xac: {  	[dreg:$0x1] =	wrdreg $0xFFFFFFFF  }
0xad: {  	[dreg:$0x0] =	wrdreg $0x60  }
0xae: {  	[dreg:$0x2] =	wrdreg s24  }
0xaf: {  	[dreg:$0x3] =	wrdreg $0x9  }
0xb0: {  	_ =	task.clear_ibuf [dreg:s6], $0x4FFFF;
	_ =	strace $0x9000004C  }
0xb1: {  	s29 =	simm.s32 $0x9;
	_ =	strace $0x8000004E  }
0xb2: {  	_ =	swait.ge [sflag:s29], $0x1  }
0xb3: {  	[sflag:s29] =	ssyncadd.s32 $0xFFFFFFFF  }
0xb4: {  	_ =	strace $0x9000004E  }
0xb5: {  	_ =	sfence  }
0xb6: {  	s30 =	sld [smem:$0x0];
	_ =	sdelay $0x2  }
0xb7: {  	s31 =	sshll.u32 s1, $0xD;
	s1 =	sshrl.u32 s1, $0x2  }
0xb8: {  	s3 =	sand.u32 $0x4000, s31;
	s1 =	sadd.s32 s1, s30  }
0xb9: {  	s0 =	sor.u32 s3, s0;
	s1 =	sshll.u32 s1, $0x11  }
0xba: {  	s0 =	sor.u32 s1, s0  }
0xbb: {  	s0 =	sadd.s32 $0x8F2B, s0  }
0xbc: {  	[sflag:s0] =	ssyncadd.remote.s32 $0x1  }
0xbd: {  	_ =	sfence.sel $0xFFFF  }
0xbe: {  	[dreg:$0x0] =	wrdreg $0xFFFFFFFF;
	(pc) =	sbr.abs _section_cstart, $3  }
0xbf: {  	[dreg:$0x1] =	wrdreg $0xFFFFFFFF  }
0xc0: {  	_ =	task.clear_ibuf [dreg:s6], $0x2FFFF;
	_ =	strace $0x9FFFFFFF  }
0xc1: {  	(tm) =	ssettm $0x7FFFFFFF  }
tec
execute0_lowered:
.L_overlay_start_1:
0x0: {  	(tag) =	ssettag $0x1  }
0x1: {  	s4 =	rddreg [dreg:$0x0]  }
0x2: {  	s0 =	rddreg [dreg:$0x1]  }
0x3: {  	s3 =	srdreg.scid;
	s1 =	stileid.u32;
	s2 =	simm.s32 $0x0  }
0x4: {  	s10 =	simm.s32 $0x1;
	s11 =	simm.s32 $0x0;
	s6 =	smul.u32 $0x4E20, s1  }
0x5: {  	s5 =	sand.u32 $0x1, s3;
	[smem:$0x7FF] =	sst s2;
	s8 =	smul.u32 $0x4E200, s1  }
0x6: {  	s3 =	sadd.s32 $0x630A00, s4;
	s7 =	smul.u32 $0x2710, s5;
	s9 =	ssub.s32 $0x2, s5  }
0x7: {  	_ =	strace $0x8000004D;
	s5 =	smul.u32 $0x27100, s5;
	s31 =	sshrl.u32 s9, $0x1  }
0x8: {  	s30 =	sadd.s32 s8, s4;
	s6 =	sadd.s32 s7, s6;
	s8 =	ssub.s32 s9, s31  }
0x9: {  	s5 =	sadd.s32 s5, s30;
	s7 =	simm.s32 $0x2;
	s6 =	sshrl.u32 s6, $0x3  }
0xa: {  	s9 =	simm.s32 $0x80;
	s5 =	sadd.s32 $0x769200, s5;
	s6 =	sadd.s32 s6, s4  }
0xb: {  	s4 =	smax.u32 s8, $0x1;
	s8 =	simm.s32 $0x50;
	s6 =	sadd.s32 $0xC400, s6  }
.LBB2_1:
0xc: {  	s12 =	sadd.s32 $0x0, s6  }
0xd: {  	[tilespmem:s2], [sflag:$0x2] =	stream.linear.gather [hbm4b:s12+s2], $0x50, $0x38;
	[tilespmem:$0x2880] =	vst v63  }
0xe: {  	_ =	swait.ge [sflag:s7], $0x50  }
0xf: {  	[sflag:s7] =	ssyncset.done $0x0  }
0x10: {  	[sflag:s7] =	ssyncadd.s32 $0xFFFFFFB0  }
0x11: {  	[tilespmem:s9], [sflag:$0x1] =	stream.indirect.gather [hbm4b:s3+s8], $0x80, s2, s8, $0xb8;
	[tilespmem:$0x2880] =	vst v63  }
0x12: {  	_ =	swait.ge [sflag:s10], $0x2800  }
0x13: {  	[sflag:s10] =	ssyncset.done $0x0  }
0x14: {  	[sflag:s10] =	ssyncadd.s32 $0xFFFFD800  }
0x15: {  	[hbm4b:s5+s2] =	stream.linear.scatter [tilespmem:s9], [sflag:$0x2], $0x2800, $0x38;
	[tilespmem:$0x2880] =	vst v63  }
0x16: {  	s13 =	simm.s32 $0xA;
	_ =	swait.ge [sflag:s7], $0x2800  }
0x17: {  	s14 =	simm.s32 $0x14;
	s12 =	sadd.s32 $0x500, s5;
	[sflag:s7] =	ssyncset.done $0x0  }
.LBB2_2:
0x18: {  	s15 =	sadd.s32 s13, s6  }
0x19: {  	[sflag:s7] =	ssyncadd.s32 $0xFFFFD800;
	s13 =	smov.u32 s14;
	s16 =	sadd.s32 $0xA, s14  }
0x1a: {  	[tilespmem:s2], [sflag:$0x2] =	stream.linear.gather [hbm4b:s15+s2], $0x50, $0x38;
	[tilespmem:$0x2880] =	vst v63  }
0x1b: {  	p0 =	sne.s32 s14, $0x4D8;
	_ =	swait.ge [sflag:s7], $0x50  }
0x1c: {  	[sflag:s7] =	ssyncset.done $0x0  }
0x1d: {  	[sflag:s7] =	ssyncadd.s32 $0xFFFFFFB0  }
0x1e: {  	[tilespmem:s9], [sflag:$0x1] =	stream.indirect.gather [hbm4b:s3+s8], $0x80, s2, s8, $0xb8;
	[tilespmem:$0x2880] =	vst v63  }
0x1f: {  	_ =	swait.ge [sflag:s10], $0x2800  }
.Ltmp0:
0x20: {  	[sflag:s10] =	ssyncset.done $0x0;
	(pc) =	sbr.rel @p0 .LBB2_2-.Ltmp0, $4  }
0x21: {  	[sflag:s10] =	ssyncadd.s32 $0xFFFFD800  }
0x22: {  	[hbm4b:s12+s2] =	stream.linear.scatter [tilespmem:s9], [sflag:$0x2], $0x2800, $0x38;
	[tilespmem:$0x2880] =	vst v63  }
0x23: {  	_ =	swait.ge [sflag:s7], $0x2800  }
0x24: {  	s14 =	smov.u32 s16;
	s12 =	sadd.s32 $0x500, s12;
	[sflag:s7] =	ssyncset.done $0x0  }
0x25: {  	s13 =	sadd.s32 s13, s6;
	[sflag:s7] =	ssyncadd.s32 $0xFFFFD800  }
0x26: {  	[tilespmem:s2], [sflag:$0x2] =	stream.linear.gather [hbm4b:s13+s2], $0x50, $0x38;
	[tilespmem:$0x2880] =	vst v63  }
0x27: {  	_ =	swait.ge [sflag:s7], $0x50  }
0x28: {  	[sflag:s7] =	ssyncset.done $0x0  }
0x29: {  	[sflag:s7] =	ssyncadd.s32 $0xFFFFFFB0  }
0x2a: {  	[tilespmem:s9], [sflag:$0x1] =	stream.indirect.gather [hbm4b:s3+s8], $0x80, s2, s8, $0xb8;
	[tilespmem:$0x2880] =	vst v63  }
0x2b: {  	s11 =	sadd.s32 $0x1, s11;
	_ =	swait.ge [sflag:s10], $0x2800  }
0x2c: {  	p0 =	sne.s32 s11, s4;
	[sflag:s10] =	ssyncset.done $0x0  }
.Ltmp1:
0x2d: {  	[sflag:s10] =	ssyncadd.s32 $0xFFFFD800;
	(pc) =	sbr.rel @p0 .LBB2_1-.Ltmp1, $4  }
0x2e: {  	[hbm4b:s12+s2] =	stream.linear.scatter [tilespmem:s9], [sflag:$0x2], $0x2800, $0x38;
	[tilespmem:$0x2880] =	vst v63  }
0x2f: {  	_ =	swait.ge [sflag:s7], $0x2800  }
0x30: {  	[sflag:s7] =	ssyncset.done $0x0  }
0x31: {  	[sflag:s7] =	ssyncadd.s32 $0xFFFFD800  }
0x32: {  	_ =	sfence.sel $0x180000  }
0x33: {  	[bflag:$0x0] =	sbarrier.arrive $0xFFFF  }
0x34: {  	p0 =	sne.s32 s1, $0x0;
	_ =	strace $0x9000004D  }
0x35: {  	s0 =	sadd.s32 @!p0 $0x100000, s0;
	[bflag:$0x2] =	sbarrier.arrive $0xFFFF  }
0x36: {  	[sflag:s0] =	ssyncadd.tile.s32 @!p0 $0x1;
	_ =	shalt  }
.Lfunc_end2:
_tile_overlayer_lowered:
.L_overlay_start_2:
0x37: {  	(tag) =	ssettag $0x2  }
0x38: {  	s0 =	rddreg [dreg:$0x0];
	s2 =	stileid.u32  }
0x39: {  	s1 =	rddreg [dreg:$0x1];
	p0 =	sne.s32 s2, $0x0  }
0x3a: {  	s3 =	rddreg [dreg:$0x2];
	[bflag:$0x3] =	sbarrier.arrive $0xFFFF;
	s2 =	simm.s32 @!p0 $0x1C02  }
0x3b: {  	[timem:s3], [sflag:s2] =	dma.local @!p0 [hbm:s0], s1  }
0x3c: {  	s0 =	simm.s32 @!p0 $0x2  }
0x3d: {  	_ =	swait.ge @!p0 [sflag:s0], s1  }
0x3e: {  	s1 =	ssub.s32 @!p0 $0x0, s1;
	[sflag:s0] =	ssyncset.done @!p0 $0x0  }
0x3f: {  	[sflag:s0] =	ssyncadd.s32 @!p0 s1  }
0x40: {  	[bflag:$0x3] =	sbarrier.arrive $0xFFFF  }
0x41: {  	_ =	shalt  }

// kernel: kernel.21.cloned.1.call-start
scs
__scs_entry_jumppad:
0x0: {  	(pc) =	sbr.rel $0x88, $3  }
0x1: {  	(tag) =	ssettag $0x0;
	lr =	simm.s32 $0x1  }
0x2: {  	[smem:$0x3F95] =	sst lr;
	_ =	strace $0xD0000000  }
0x3: {  	_ = 	snop  }
0x4: {  	_ = 	snop  }
0x5: {  	_ = 	snop  }
0x6: {  	_ = 	snop  }
0x7: {  	_ = 	snop  }
__scs_overlays_trampoline_lowered:
0x8: {  	[smem:$0x3FA4] =	sst s0  }
0x9: {  	[smem:$0x3FA5] =	sst s1  }
0xa: {  	[smem:$0x3FA6] =	sst s2  }
0xb: {  	[smem:$0x3FA7] =	sst s3  }
0xc: {  	[smem:$0x3FA8] =	sst s4  }
0xd: {  	[smem:$0x3FA9] =	sst s5  }
0xe: {  	[smem:$0x3FAA] =	sst s6  }
0xf: {  	[smem:$0x3FAB] =	sst s7  }
0x10: {  	[smem:$0x3FAC] =	sst s8  }
0x11: {  	[smem:$0x3FAD] =	sst s9;
	s0 =	simm.s32 @!p0 $0x0  }
0x12: {  	s1 =	sld [smem:$0x3F93];
	s0 =	simm.s32 @p0 $0x1  }
0x13: {  	[smem:$0x3FAE] =	sst s0;
	s0 =	simm.s32 @!p1 $0x0  }
0x14: {  	s2 =	sld [smem:$0x3F92];
	s0 =	simm.s32 @p1 $0x1  }
0x15: {  	[smem:$0x3FAF] =	sst s0;
	s0 =	simm.s32 @!p2 $0x0  }
0x16: {  	s3 =	sld [smem:$0x3FDB];
	s0 =	simm.s32 @p2 $0x1  }
0x17: {  	s4 =	simm.s32 $0x1BF5;
	[smem:$0x3FB1] =	sst s0  }
0x18: {  	s0 =	sld [smem:$0x3F94];
	_ =	swait.ge [sflag:s4], $0x0  }
0x19: {  	s7 =	sld [smem:$0x3F95]  }
0x1a: {  	s8 =	sadd.s32 $0xFFFFE003, lr  }
0x1b: {  	s9 =	sadd.s32 $0xFFFFFEF7, lr;
	s5 =	simm.s32 $0xFFFFFFFF;
	p2 =	slt.u32 s8, $0xFFFFF086  }
0x1c: {  	p1 =	slt.u32 s9, $0xF7A;
	s5 =	simm.s32 @!p2 $0x0  }
0x1d: {  	s5 =	simm.s32 @p1 $0x1;
	p0 =	seq.s32 s7, s2  }
0x1e: {  	s7 =	smul.u32 @!p0 $0xF7A, s2;
	p2 =	seq.s32 @!p0 s5, $0x0  }
0x1f: {  	s9 =	smul.u32 $0xF7A, s1;
	s8 =	simm.s32 @!p0 $0x1BF5;
	p2 =	por !p2, p0  }
0x20: {  	[sflag:s8] =	ssyncset.s32 @!p0 $0xFFFFF086;
	s6 =	sadd.s32 @!p0 s3, s7;
	s7 =	simm.s32 @!p0 $0x108  }
0x21: {  	s3 =	sadd.s32 s3, s9;
	s6 =	sadd.s32 @!p0 $0x88, s6;
	s7 =	simm.s32 @p2 $0x1082  }
0x22: {  	[simem:s7], [sflag:s8] =	dma.local @!p0 [hbm:s6], $0xF7A  }
0x23: {  	s9 =	sor.u32 $0xD0000000, s2;
	s6 =	simm.s32 $0x108;
	_ =	swait.ge @!p0 [sflag:s8], $0x0  }
0x24: {  	s3 =	sadd.s32 $0x88, s3;
	s6 =	simm.s32 @!p1 $0x1082;
	[sflag:s4] =	ssyncset.s32 $0xFFFFF086  }
0x25: {  	[simem:s6], [sflag:s4] =	dma.local [hbm:s3], $0xF7A  }
0x26: {  	[smem:$0x3F95] =	sst s1;
	(tag) =	ssettag s2;
	_ =	strace s9  }
0x27: {  	s1 =	sld [smem:$0x3FA5]  }
0x28: {  	s2 =	sld [smem:$0x3FA6]  }
0x29: {  	s4 =	sld [smem:$0x3FA8]  }
0x2a: {  	p0 =	seq.s32 s5, $0x0;
	s5 =	sld [smem:$0x3FA9]  }
0x2b: {  	s6 =	sld [smem:$0x3FAA]  }
0x2c: {  	s7 =	sld [smem:$0x3FAB]  }
0x2d: {  	s3 =	simm.s32 $0x108;
	s8 =	sld [smem:$0x3FAC]  }
0x2e: {  	s3 =	simm.s32 @!p0 $0x1082;
	s9 =	sld [smem:$0x3FAD]  }
0x2f: {  	lr =	sadd.s32 s0, s3;
	s0 =	sld [smem:$0x3FA4]  }
0x30: {  	s3 =	sld [smem:$0x3FA7]  }
0x31: {  	[smem:$0x3FB0] =	sst s10  }
0x32: {  	s10 =	sld [smem:$0x3FAE];
	_ =	sdelay $0x3  }
0x33: {  	p0 =	seq.s32 s10, $0x1;
	s10 =	sld [smem:$0x3FB0];
	_ =	sdelay $0x3  }
0x34: {  	[smem:$0x3FB0] =	sst s10  }
0x35: {  	s10 =	sld [smem:$0x3FAF];
	_ =	sdelay $0x3  }
0x36: {  	p1 =	seq.s32 s10, $0x1;
	s10 =	sld [smem:$0x3FB0];
	_ =	sdelay $0x3  }
0x37: {  	[smem:$0x3FB0] =	sst s10  }
0x38: {  	s10 =	sld [smem:$0x3FB1]  }
0x39: {  	_ = 	snop;
	(pc) =	sbr.ind lr, $3  }
0x3a: {  	_ = 	snop  }
0x3b: {  	_ = 	snop  }
0x3c: {  	p2 =	seq.s32 s10, $0x1;
	s10 =	sld [smem:$0x3FB0]  }
0x3d: {  	_ =	shalt  }
0x3e: {  	_ =	shalt  }
0x3f: {  	_ =	shalt  }
0x40: {  	_ =	shalt  }
0x41: {  	_ =	shalt  }
0x42: {  	_ =	shalt  }
0x43: {  	_ =	shalt  }
0x44: {  	_ =	shalt  }
0x45: {  	_ =	shalt  }
0x46: {  	_ =	shalt  }
0x47: {  	_ =	shalt  }
0x48: {  	_ =	shalt  }
0x49: {  	_ =	shalt  }
0x4a: {  	_ =	shalt  }
0x4b: {  	_ =	shalt  }
0x4c: {  	_ =	shalt  }
0x4d: {  	_ =	shalt  }
0x4e: {  	_ =	shalt  }
0x4f: {  	_ =	shalt  }
0x50: {  	_ =	shalt  }
0x51: {  	_ =	shalt  }
0x52: {  	_ =	shalt  }
0x53: {  	_ =	shalt  }
0x54: {  	_ =	shalt  }
0x55: {  	_ =	shalt  }
0x56: {  	_ =	shalt  }
0x57: {  	_ =	shalt  }
0x58: {  	_ =	shalt  }
0x59: {  	_ =	shalt  }
0x5a: {  	_ =	shalt  }
0x5b: {  	_ =	shalt  }
0x5c: {  	_ =	shalt  }
0x5d: {  	_ =	shalt  }
0x5e: {  	_ =	shalt  }
0x5f: {  	_ =	shalt  }
0x60: {  	_ =	shalt  }
0x61: {  	_ =	shalt  }
0x62: {  	_ =	shalt  }
0x63: {  	_ =	shalt  }
0x64: {  	_ =	shalt  }
0x65: {  	_ =	shalt  }
0x66: {  	_ =	shalt  }
0x67: {  	_ =	shalt  }
0x68: {  	_ =	shalt  }
0x69: {  	_ =	shalt  }
0x6a: {  	_ =	shalt  }
0x6b: {  	_ =	shalt  }
0x6c: {  	_ =	shalt  }
0x6d: {  	_ =	shalt  }
0x6e: {  	_ =	shalt  }
0x6f: {  	_ =	shalt  }
0x70: {  	_ =	shalt  }
0x71: {  	_ =	shalt  }
0x72: {  	_ =	shalt  }
0x73: {  	_ =	shalt  }
0x74: {  	_ =	shalt  }
0x75: {  	_ =	shalt  }
0x76: {  	_ =	shalt  }
0x77: {  	_ =	shalt  }
0x78: {  	_ =	shalt  }
0x79: {  	_ =	shalt  }
0x7a: {  	_ =	shalt  }
0x7b: {  	_ =	shalt  }
0x7c: {  	_ =	shalt  }
0x7d: {  	_ =	shalt  }
0x7e: {  	_ =	shalt  }
0x7f: {  	_ =	shalt  }
0x80: {  	_ =	shalt  }
0x81: {  	_ =	shalt  }
0x82: {  	_ =	shalt  }
0x83: {  	_ =	shalt  }
0x84: {  	_ =	shalt  }
0x85: {  	_ =	shalt  }
0x86: {  	_ =	shalt  }
0x87: {  	_ =	shalt  }
.Lfunc_end0:
.L_simem_size_0:
called_computation.3_lowered:
.L_overlay_start_0:
0x88: {  	s2 =	sld [smem:$0x3FD9]  }
0x89: {  	s3 =	sld [smem:$0x3FFE];
	_ =	sdelay $0x1  }
0x8a: {  	s1 =	srdreg.scid  }
0x8b: {  	s0 =	sand.u32 $0x1, s1  }
0x8c: {  	s17 =	sshll.u32 s0, $0xA;
	s2 =	sadd.s32 s3, s2  }
0x8d: {  	s2 =	sadd.s32 s2, s17  }
0x8e: {  	[smem:$0x3FBC] =	sst s2  }
0x8f: {  	_ = 	snop  }
0x90: {  	s2 =	sld [smem:$0x3FD0];
	(tm) =	ssettm $0x1  }
0x91: {  	s18 =	sld [smem:$0x3FFB];
	_ =	sdelay $0x3  }
0x92: {  	_ =	strace s18  }
0x93: {  	s3 =	sld [smem:$0x3FFC];
	_ =	sdelay $0x3  }
0x94: {  	_ =	strace s3  }
0x95: {  	s3 =	sld [smem:$0x3FFD];
	_ =	sdelay $0x3  }
0x96: {  	_ =	strace s3  }
0x97: {  	_ =	strace $0x8FFFFFFF  }
0x98: {  	s19 =	sld [smem:$0x3FDB];
	_ =	sdelay $0x1  }
0x99: {  	s4 =	simm.s32 $_scs_section_size  }
0x9a: {  	s5 =	simm.s32 $_size__tile_overlayer_lowered;
	s6 =	simm.s32 $_tile_overlayer_lowered  }
0x9b: {  	s22 =	simm.s32 $0x1BFF;
	s21 =	sshll.u32 s6, $0x1;
	s3 =	sadd.s32 s4, s19  }
0x9c: {  	s7 =	simm.s32 $0x0;
	s20 =	sshll.u32 s5, $0x1;
	s5 =	sadd.s32 s21, s3  }
0x9d: {  	[timem:s7], [sflag:s22] =	dma.local [hbm:s5], s20  }
0x9e: {  	_ =	swait.ge [sflag:s22], s20  }
0x9f: {  	s4 =	ssub.s32 $0x0, s20;
	[sflag:s22] =	ssyncset.done $0x0  }
0xa0: {  	[sflag:s22] =	ssyncadd.s32 s4;
	_ =	sdelay $0x1  }
0xa1: {  	s23 =	simm.s32 $0x1B8B  }
0xa2: {  	_ =	swait.ge [sflag:s23], $0x1  }
0xa3: {  	[sflag:s23] =	ssyncset.done $0x0  }
0xa4: {  	s25 =	simm.s32 $0x1B8E;
	s24 =	sld [smem:$0x3FFE];
	[sflag:s23] =	ssyncadd.s32 $0xFFFFFFFF  }
0xa5: {  	s26 =	simm.s32 $execute0_lowered;
	[smem:$0x3FD2] =	sst s25  }
0xa6: {  	s5 =	sshll.u32 s26, $0x1;
	_ =	strace $0x8000004F;
	[dreg:$0x1] =	wrdreg $0xFFFFFFFF  }
0xa7: {  	s28 =	simm.s32 $_size_execute0_lowered;
	s3 =	sadd.s32 s3, s5;
	[dreg:$0x0] =	wrdreg $0x0  }
0xa8: {  	s5 =	sshll.u32 s28, $0x1;
	[dreg:$0x2] =	wrdreg s3  }
0xa9: {  	[dreg:$0x3] =	wrdreg s5  }
0xaa: {  	[dreg:$0x4] =	wrdreg $0xC0  }
0xab: {  	_ =	task [dreg:s7], $0x5FFFF  }
0xac: {  	[dreg:$0x1] =	wrdreg $0xFFFFFFFF  }
0xad: {  	[dreg:$0x0] =	wrdreg $0x60  }
0xae: {  	[dreg:$0x2] =	wrdreg s24  }
0xaf: {  	[dreg:$0x3] =	wrdreg s2  }
0xb0: {  	[dreg:$0x4] =	wrdreg $0x9  }
0xb1: {  	_ =	task.clear_ibuf [dreg:s7], $0x5FFFF;
	_ =	strace $0x9000004F  }
0xb2: {  	s29 =	simm.s32 $0x9;
	_ =	strace $0x80000051  }
0xb3: {  	_ =	swait.ge [sflag:s29], $0x1  }
0xb4: {  	[sflag:s29] =	ssyncadd.s32 $0xFFFFFFFF  }
0xb5: {  	_ =	strace $0x90000051  }
0xb6: {  	_ =	sfence  }
0xb7: {  	s30 =	sld [smem:$0x0];
	_ =	sdelay $0x2  }
0xb8: {  	s31 =	sshll.u32 s1, $0xD;
	s1 =	sshrl.u32 s1, $0x2  }
0xb9: {  	s3 =	sand.u32 $0x4000, s31;
	s1 =	sadd.s32 s1, s30  }
0xba: {  	s0 =	sor.u32 s3, s0;
	s1 =	sshll.u32 s1, $0x11  }
0xbb: {  	s0 =	sor.u32 s1, s0  }
0xbc: {  	s0 =	sadd.s32 $0x8F2B, s0  }
0xbd: {  	[sflag:s0] =	ssyncadd.remote.s32 $0x1  }
0xbe: {  	_ =	sfence.sel $0xFFFF  }
0xbf: {  	[dreg:$0x0] =	wrdreg $0xFFFFFFFF;
	(pc) =	sbr.abs _section_cstart, $3  }
0xc0: {  	[dreg:$0x1] =	wrdreg $0xFFFFFFFF  }
0xc1: {  	_ =	task.clear_ibuf [dreg:s7], $0x2FFFF;
	_ =	strace $0x9FFFFFFF  }
0xc2: {  	(tm) =	ssettm $0x7FFFFFFF  }
0xc3: {  	_ =	shalt  }
tec
execute0_lowered:
.L_overlay_start_1:
0x0: {  	(tag) =	ssettag $0x1  }
0x1: {  	s4 =	rddreg [dreg:$0x0]  }
0x2: {  	s0 =	stileid.u32;
	s1 =	srdreg.scid  }
0x3: {  	s6 =	rddreg [dreg:$0x1];
	s5 =	smul.u32 $0x32000, s0  }
0x4: {  	s2 =	simm.s32 $0x0;
	s3 =	sand.u32 $0x1, s1;
	s8 =	smul.u32 $0x3200, s0  }
0x5: {  	s11 =	simm.s32 $0x0;
	s1 =	rddreg [dreg:$0x2];
	s7 =	smul.u32 $0x19000, s3  }
0x6: {  	[smem:$0x7FF] =	sst s2;
	s9 =	ssub.s32 $0x2, s3;
	s10 =	smul.u32 $0x1900, s3  }
0x7: {  	s3 =	sadd.s32 $0x2600, s4;
	s4 =	sadd.s32 s5, s4;
	s30 =	sshrl.u32 s9, $0x1  }
0x8: {  	_ =	strace $0x80000050;
	s5 =	ssub.s32 s9, s30;
	s7 =	sadd.s32 s7, s4  }
0x9: {  	s8 =	sadd.s32 s10, s8;
	s9 =	simm.s32 $0x80;
	s10 =	simm.s32 $0x1  }
0xa: {  	s4 =	smax.u32 s5, $0x1;
	s5 =	sadd.s32 $0x29800, s7;
	s31 =	sshrl.u32 s8, $0x3  }
0xb: {  	s7 =	simm.s32 $0x2;
	s8 =	simm.s32 $0x50;
	s6 =	sadd.s32 s31, s6  }
.LBB2_1:
0xc: {  	s12 =	sadd.s32 $0x0, s6  }
0xd: {  	[tilespmem:s2], [sflag:$0x2] =	stream.linear.gather [hbm4b:s12+s2], $0x50, $0x38;
	[tilespmem:$0x2880] =	vst v63  }
0xe: {  	_ =	swait.ge [sflag:s7], $0x50  }
0xf: {  	[sflag:s7] =	ssyncset.done $0x0  }
0x10: {  	[sflag:s7] =	ssyncadd.s32 $0xFFFFFFB0  }
0x11: {  	[tilespmem:s9], [sflag:$0x1] =	stream.indirect.gather [hbm4b:s3+s8], $0x80, s2, s8, $0xb8;
	[tilespmem:$0x2880] =	vst v63  }
0x12: {  	_ =	swait.ge [sflag:s10], $0x2800  }
0x13: {  	[sflag:s10] =	ssyncset.done $0x0  }
0x14: {  	[sflag:s10] =	ssyncadd.s32 $0xFFFFD800  }
0x15: {  	[hbm4b:s5+s2] =	stream.linear.scatter [tilespmem:s9], [sflag:$0x2], $0x2800, $0x38;
	[tilespmem:$0x2880] =	vst v63  }
0x16: {  	s13 =	simm.s32 $0xA;
	_ =	swait.ge [sflag:s7], $0x2800  }
0x17: {  	s14 =	simm.s32 $0x14;
	s12 =	sadd.s32 $0x500, s5;
	[sflag:s7] =	ssyncset.done $0x0  }
.LBB2_2:
0x18: {  	s15 =	sadd.s32 s13, s6  }
0x19: {  	[sflag:s7] =	ssyncadd.s32 $0xFFFFD800;
	s13 =	smov.u32 s14;
	s16 =	sadd.s32 $0xA, s14  }
0x1a: {  	[tilespmem:s2], [sflag:$0x2] =	stream.linear.gather [hbm4b:s15+s2], $0x50, $0x38;
	[tilespmem:$0x2880] =	vst v63  }
0x1b: {  	p0 =	sne.s32 s14, $0x316;
	_ =	swait.ge [sflag:s7], $0x50  }
0x1c: {  	[sflag:s7] =	ssyncset.done $0x0  }
0x1d: {  	[sflag:s7] =	ssyncadd.s32 $0xFFFFFFB0  }
0x1e: {  	[tilespmem:s9], [sflag:$0x1] =	stream.indirect.gather [hbm4b:s3+s8], $0x80, s2, s8, $0xb8;
	[tilespmem:$0x2880] =	vst v63  }
0x1f: {  	_ =	swait.ge [sflag:s10], $0x2800  }
.Ltmp0:
0x20: {  	[sflag:s10] =	ssyncset.done $0x0;
	(pc) =	sbr.rel @p0 .LBB2_2-.Ltmp0, $4  }
0x21: {  	[sflag:s10] =	ssyncadd.s32 $0xFFFFD800  }
0x22: {  	[hbm4b:s12+s2] =	stream.linear.scatter [tilespmem:s9], [sflag:$0x2], $0x2800, $0x38;
	[tilespmem:$0x2880] =	vst v63  }
0x23: {  	_ =	swait.ge [sflag:s7], $0x2800  }
0x24: {  	s14 =	smov.u32 s16;
	s12 =	sadd.s32 $0x500, s12;
	[sflag:s7] =	ssyncset.done $0x0  }
0x25: {  	s13 =	sadd.s32 s13, s6;
	[sflag:s7] =	ssyncadd.s32 $0xFFFFD800  }
0x26: {  	[tilespmem:s2], [sflag:$0x2] =	stream.linear.gather [hbm4b:s13+s2], $0x50, $0x38;
	[tilespmem:$0x2880] =	vst v63  }
0x27: {  	_ =	swait.ge [sflag:s7], $0x50  }
0x28: {  	[sflag:s7] =	ssyncset.done $0x0  }
0x29: {  	[sflag:s7] =	ssyncadd.s32 $0xFFFFFFB0  }
0x2a: {  	[tilespmem:s9], [sflag:$0x1] =	stream.indirect.gather [hbm4b:s3+s8], $0x80, s2, s8, $0xb8;
	[tilespmem:$0x2880] =	vst v63  }
0x2b: {  	s11 =	sadd.s32 $0x1, s11;
	_ =	swait.ge [sflag:s10], $0x2800  }
0x2c: {  	p0 =	sne.s32 s11, s4;
	[sflag:s10] =	ssyncset.done $0x0  }
.Ltmp1:
0x2d: {  	[sflag:s10] =	ssyncadd.s32 $0xFFFFD800;
	(pc) =	sbr.rel @p0 .LBB2_1-.Ltmp1, $4  }
0x2e: {  	[hbm4b:s12+s2] =	stream.linear.scatter [tilespmem:s9], [sflag:$0x2], $0x2800, $0x38;
	[tilespmem:$0x2880] =	vst v63  }
0x2f: {  	_ =	swait.ge [sflag:s7], $0x2800  }
0x30: {  	[sflag:s7] =	ssyncset.done $0x0  }
0x31: {  	[sflag:s7] =	ssyncadd.s32 $0xFFFFD800  }
0x32: {  	_ =	sfence.sel $0x180000  }
0x33: {  	[bflag:$0x0] =	sbarrier.arrive $0xFFFF  }
0x34: {  	p0 =	sne.s32 s0, $0x0;
	_ =	strace $0x90000050  }
0x35: {  	s0 =	sadd.s32 @!p0 $0x100000, s1;
	[bflag:$0x2] =	sbarrier.arrive $0xFFFF  }
0x36: {  	[sflag:s0] =	ssyncadd.tile.s32 @!p0 $0x1;
	_ =	shalt  }
.Lfunc_end2:
_tile_overlayer_lowered:
.L_overlay_start_2:
0x37: {  	(tag) =	ssettag $0x2  }
0x38: {  	s0 =	rddreg [dreg:$0x0];
	s2 =	stileid.u32  }
0x39: {  	s1 =	rddreg [dreg:$0x1];
	p0 =	sne.s32 s2, $0x0  }
0x3a: {  	s3 =	rddreg [dreg:$0x2];
	[bflag:$0x3] =	sbarrier.arrive $0xFFFF;
	s2 =	simm.s32 @!p0 $0x1C02  }
0x3b: {  	[timem:s3], [sflag:s2] =	dma.local @!p0 [hbm:s0], s1  }
0x3c: {  	s0 =	simm.s32 @!p0 $0x2  }
0x3d: {  	_ =	swait.ge @!p0 [sflag:s0], s1  }
0x3e: {  	s1 =	ssub.s32 @!p0 $0x0, s1;
	[sflag:s0] =	ssyncset.done @!p0 $0x0  }
0x3f: {  	[sflag:s0] =	ssyncadd.s32 @!p0 s1  }
0x40: {  	[bflag:$0x3] =	sbarrier.arrive $0xFFFF  }
0x41: {  	_ =	shalt  }

</sc_bundles>
